<compile_context>
chip_gen: v7x
topology: tpu7x:2x2x1
jax: 0.10.2.dev20260603
libtpu: 0.0.44.dev20260713+nightly
codegen_flags: <defaults>
</compile_context>

<pallas_src>
import functools

import jax
import jax.numpy as jnp
from jax import lax
from jax.experimental import pallas as pl
from jax.experimental.pallas import tpu as pltpu
from jax.experimental.pallas import tpu_sc as plsc

NUM_EMBEDDINGS = 1000000
FEATURES = 32
BATCH = 4096
LENGTH = 200

NC = 2
NS = 16
NW = NC * NS

FT = 4
FS = 8
BT = 32
BL = 128

SB = 8
BTS = BT // SB
CHUNK = BTS * BL
NBLK = LENGTH * SB
BLK_PER_W = NBLK // NW

PBL = BL + 1
FTS = BTS * FS * PBL
SJS = FS * PBL
TBUF = FT * FTS


def _make_gather():
    mesh = plsc.VectorSubcoreMesh(
        core_axis_name="c", subcore_axis_name="s", num_cores=NC, num_subcores=NS
    )

    @functools.partial(
        pl.kernel,
        out_type=jax.ShapeDtypeStruct((LENGTH, FT, BT, FS, BL), jnp.float32),
        mesh=mesh,
        compiler_params=pltpu.CompilerParams(
            use_tc_tiling_on_sc=False,
            needs_layout_passes=False,
            disable_bounds_checks=True,
        ),
        scratch_types=[
            pltpu.VMEM((CHUNK,), jnp.int32),
            pltpu.VMEM((CHUNK,), jnp.int32),
            pltpu.VMEM((CHUNK, FEATURES), jnp.float32),
            pltpu.VMEM((CHUNK, FEATURES), jnp.float32),
            pltpu.VMEM((FT, BTS, FS, PBL), jnp.float32),
            pltpu.VMEM((FT, BTS, FS, PBL), jnp.float32),
            pltpu.SemaphoreType.DMA,
            pltpu.SemaphoreType.DMA,
            pltpu.SemaphoreType.DMA,
            pltpu.SemaphoreType.DMA,
            pltpu.SemaphoreType.DMA,
            pltpu.SemaphoreType.DMA,
        ],
    )
    def k(table_hbm, tt_hbm, idx_hbm, out_hbm, *refs):
        idx_v = refs[0:2]
        rows_v = refs[2:4]
        tbuf_v = refs[4:6]
        isem = refs[6:8]
        gsem = refs[8:10]
        wsem = refs[10:12]

        wid = lax.axis_index("s") * NC + lax.axis_index("c")
        base = wid * BLK_PER_W
        lane = jnp.arange(16, dtype=jnp.int32)
        ftv = lane // FS
        fsv = lane % FS

        def start_idx(m, b):
            l = m // SB
            sb = m % SB
            return pltpu.async_copy(
                idx_hbm.at[l, pl.ds(sb * CHUNK, CHUNK)], idx_v[b], isem[b]
            )

        def start_gather(b):
            return pltpu.async_copy(table_hbm.at[idx_v[b]], rows_v[b], gsem[b])

        def drain_writes(b):
            for _ in range(FT):
                pltpu.make_async_copy(
                    tbuf_v[b].at[0, :, :, pl.ds(0, BL)],
                    out_hbm.at[0, 0, pl.ds(0, BTS)],
                    wsem[b],
                ).wait()

        def transpose(b):
            rv = rows_v[b]
            tb = tbuf_v[b]

            def tr_body(g, carry):
                btrv = jnp.full((16,), g // 16, dtype=jnp.int32)
                blbase = (g % 16) * 8
                vals = []
                blvs = []
                for u in range(8):
                    j = g * 8 + u
                    blvs.append(jnp.full((16,), blbase + u, dtype=jnp.int32))
                    vals.append((rv[j, pl.ds(0, 16)], rv[j, pl.ds(16, 16)]))
                for (vlo, vhi), blv in zip(vals, blvs):
                    plsc.store_scatter(tb, [ftv, btrv, fsv, blv], vlo)
                    plsc.store_scatter(tb, [ftv + 2, btrv, fsv, blv], vhi)
                return carry

            lax.fori_loop(0, CHUNK // 8, tr_body, 0)

        def write_out(m, b):
            l = m // SB
            sb = m % SB
            for ft in range(FT):
                pltpu.async_copy(
                    tbuf_v[b].at[ft, :, :, pl.ds(0, BL)],
                    out_hbm.at[l, ft, pl.ds(sb * BTS, BTS)],
                    wsem[b],
                )

        start_idx(base, 0).wait()
        start_idx(base + 1, 1)
        start_gather(0)

        def pair_body(p, carry):
            for q in range(2):
                m = base + 2 * p + q
                nq = 1 - q
                pltpu.make_async_copy(
                    table_hbm.at[idx_v[q]], rows_v[q], gsem[q]
                ).wait()
                @pl.when(2 * p + q + 2 < BLK_PER_W)
                def _():
                    start_idx(m + 2, q)

                @pl.when(2 * p + q + 1 < BLK_PER_W)
                def _():
                    pltpu.make_async_copy(
                        idx_hbm.at[0, pl.ds(0, CHUNK)], idx_v[nq], isem[nq]
                    ).wait()
                    start_gather(nq)

                @pl.when(2 * p + q >= 2)
                def _():
                    drain_writes(q)

                transpose(q)
                write_out(m, q)
            return carry

        lax.fori_loop(0, BLK_PER_W // 2, pair_body, 0)
        drain_writes(0)
        drain_writes(1)

    return k


_gather = _make_gather()


def kernel(inputs, embedding):
    idx = jnp.transpose(inputs)
    out5 = _gather(embedding, jnp.transpose(embedding), idx)
    return out5.transpose(2, 4, 0, 1, 3).reshape(BATCH, LENGTH, FEATURES)

# --- scband reference (transcript-rebuilt; emitter-appended) ---
"""Pipeline reference for scband-embed-77309411525 (READ-ONLY COPY).

The authoritative reference and input builder live on the scoring server;
editing this copy changes nothing except your own understanding.
"""

import jax, jax.numpy as jnp
import numpy as np

NUM_EMBEDDINGS = 1000000
FEATURES = 32
BATCH = 4096
LENGTH = 200

def setup_inputs(seed: int = 0) -> dict:
    key = jax.random.key(seed)
    k_idx, k_emb = jax.random.split(key)
    inputs = jax.random.randint(k_idx, (BATCH, LENGTH), 0, NUM_EMBEDDINGS, dtype=jnp.int32)
    # variance_scaling(1.0, 'fan_in', 'normal', out_axis=0) on (vocab, features):
    # out_axis=0 -> fan_in = features -> std = sqrt(1/features)
    std = float(np.sqrt(1.0 / FEATURES))
    embedding = jax.random.normal(k_emb, (NUM_EMBEDDINGS, FEATURES), dtype=jnp.float32) * std
    return {"inputs": inputs, "embedding": embedding}

def reference(inputs, embedding):
    # Faithful translation of Embed.__call__ with one_hot=False, dtype=float32.
    # inputs is integer -> plain gather along vocab axis; output shape [B, L, features].
    table = jnp.asarray(embedding, jnp.float32)
    output = jnp.take(table, inputs, axis=0)
    return output

if __name__ == "__main__":
    import jax
    _d = setup_inputs()
    print(jax.jit(kernel)(*tuple(_d.values())))

</pallas_src>

<mosaic_0001>
#map = affine_map<(d0, d1) -> (0, 0)>
#map1 = affine_map<(d0, d1) -> (0, 0, 0, 0, 0)>
module attributes {stable_mosaic.version = 14 : i64} {
  func.func @k(%arg0: i32, %arg1: i32, %arg2: memref<1000000x32xf32, #tpu.memory_space<hbm>>, %arg3: memref<32x1000000xf32, #tpu.memory_space<hbm>>, %arg4: memref<200x4096xi32, #tpu.memory_space<hbm>>, %arg5: memref<200x4x32x8x128xf32, #tpu.memory_space<hbm>>, %arg6: memref<512xi32, #tpu.memory_space<vmem>>, %arg7: memref<512xi32, #tpu.memory_space<vmem>>, %arg8: memref<512x32xf32, #tpu.memory_space<vmem>>, %arg9: memref<512x32xf32, #tpu.memory_space<vmem>>, %arg10: memref<4x4x8x129xf32, #tpu.memory_space<vmem>>, %arg11: memref<4x4x8x129xf32, #tpu.memory_space<vmem>>, %arg12: memref<!tpu.dma_semaphore, #tpu.memory_space<semaphore_mem>>, %arg13: memref<!tpu.dma_semaphore, #tpu.memory_space<semaphore_mem>>, %arg14: memref<!tpu.dma_semaphore, #tpu.memory_space<semaphore_mem>>, %arg15: memref<!tpu.dma_semaphore, #tpu.memory_space<semaphore_mem>>, %arg16: memref<!tpu.dma_semaphore, #tpu.memory_space<semaphore_mem>>, %arg17: memref<!tpu.dma_semaphore, #tpu.memory_space<semaphore_mem>>) attributes {dimension_semantics = [#tpu.dimension_semantics<core_parallel>, #tpu.dimension_semantics<subcore_parallel>], iteration_bounds = array<i64: 2, 16>, scalar_prefetch = 0 : i64, scratch_operands = 12 : i64, tpu.core_type = #tpu.core_type<sc_vector_subcore>, window_params = [{transform_indices = #map}, {transform_indices = #map}, {transform_indices = #map}, {transform_indices = #map1}]} {
    %mul3A = arith.constant 2 : i32
    %mul3A_0 = arith.muli %arg1, %mul3A : i32
    %add3A = arith.addi %mul3A_0, %arg0 : i32
    %mul3A_1 = arith.constant 50 : i32
    %mul3A_2 = arith.muli %add3A, %mul3A_1 : i32
    %iota3A = tpu.iota {dimensions = array<i32: 0>} : vector<16xi32>
    %jit3A = arith.constant 8 : i32
    %div3A = vector.broadcast %jit3A : i32 to vector<16xi32>
    %div3A_3 = arith.divsi %iota3A, %div3A : vector<16xi32>
    %sign3A = arith.constant 0 : i32
    %sign3A_4 = vector.broadcast %sign3A : i32 to vector<16xi32>
    %sign3A_5 = arith.cmpi sgt, %iota3A, %sign3A_4 : vector<16xi32>
    %sign3A_6 = arith.extui %sign3A_5 : vector<16xi1> to vector<16xi32>
    %sign3A_7 = arith.constant 0 : i32
    %sign3A_8 = vector.broadcast %sign3A_7 : i32 to vector<16xi32>
    %sign3A_9 = arith.cmpi slt, %iota3A, %sign3A_8 : vector<16xi32>
    %sign3A_10 = arith.extui %sign3A_9 : vector<16xi1> to vector<16xi32>
    %sign3A_11 = arith.subi %sign3A_6, %sign3A_10 : vector<16xi32>
    %sign3A_12 = arith.constant 0 : i32
    %sign3A_13 = arith.cmpi sgt, %jit3A, %sign3A_12 : i32
    %sign3A_14 = arith.extui %sign3A_13 : i1 to i32
    %sign3A_15 = arith.constant 0 : i32
    %sign3A_16 = arith.cmpi slt, %jit3A, %sign3A_15 : i32
    %sign3A_17 = arith.extui %sign3A_16 : i1 to i32
    %sign3A_18 = arith.subi %sign3A_14, %sign3A_17 : i32
    %ne3A = vector.broadcast %sign3A_18 : i32 to vector<16xi32>
    %ne3A_19 = arith.cmpi ne, %sign3A_11, %ne3A : vector<16xi32>
    %rem3A = vector.broadcast %jit3A : i32 to vector<16xi32>
    %rem3A_20 = arith.remsi %iota3A, %rem3A : vector<16xi32>
    %ne3A_21 = arith.constant 0 : i32
    %ne3A_22 = vector.broadcast %ne3A_21 : i32 to vector<16xi32>
    %ne3A_23 = arith.cmpi ne, %rem3A_20, %ne3A_22 : vector<16xi32>
    %and3A = arith.andi %ne3A_19, %ne3A_23 : vector<16xi1>
    %sub3A = arith.constant 1 : i32
    %sub3A_24 = vector.broadcast %sub3A : i32 to vector<16xi32>
    %sub3A_25 = arith.subi %div3A_3, %sub3A_24 : vector<16xi32>
    %select_n3A = arith.select %and3A, %sub3A_25, %div3A_3 : vector<16xi1>, vector<16xi32>
    %jit3A_26 = arith.constant 8 : i32
    %eq3A = arith.constant 0 : i32
    %eq3A_27 = arith.cmpi eq, %jit3A_26, %eq3A : i32
    %jit3A_28 = arith.constant 1 : i32
    %select_n3A_29 = arith.select %eq3A_27, %jit3A_28, %jit3A_26 : i32
    %rem3A_30 = vector.broadcast %select_n3A_29 : i32 to vector<16xi32>
    %rem3A_31 = arith.remsi %iota3A, %rem3A_30 : vector<16xi32>
    %ne3A_32 = arith.constant 0 : i32
    %ne3A_33 = vector.broadcast %ne3A_32 : i32 to vector<16xi32>
    %ne3A_34 = arith.cmpi ne, %rem3A_31, %ne3A_33 : vector<16xi32>
    %lt3A = arith.constant 0 : i32
    %lt3A_35 = vector.broadcast %lt3A : i32 to vector<16xi32>
    %lt3A_36 = arith.cmpi slt, %rem3A_31, %lt3A_35 : vector<16xi32>
    %lt3A_37 = arith.constant 0 : i32
    %lt3A_38 = arith.cmpi slt, %select_n3A_29, %lt3A_37 : i32
    %ne3A_39 = vector.broadcast %lt3A_38 : i1 to vector<16xi1>
    %ne3A_40 = vector.broadcast %ne3A_39 : vector<16xi1> to vector<16xi1>
    %ne3A_41 = arith.xori %lt3A_36, %ne3A_40 : vector<16xi1>
    %and3A_42 = arith.andi %ne3A_41, %ne3A_34 : vector<16xi1>
    %add3A_43 = vector.broadcast %select_n3A_29 : i32 to vector<16xi32>
    %add3A_44 = arith.addi %rem3A_31, %add3A_43 : vector<16xi32>
    %select_n3A_45 = arith.select %and3A_42, %add3A_44, %rem3A_31 : vector<16xi1>, vector<16xi32>
    %jit3A_46 = arith.constant 8 : i32
    %div3A_47 = arith.divsi %mul3A_2, %jit3A_46 : i32
    %sign3A_48 = arith.constant 0 : i32
    %sign3A_49 = arith.cmpi sgt, %mul3A_2, %sign3A_48 : i32
    %sign3A_50 = arith.extui %sign3A_49 : i1 to i32
    %sign3A_51 = arith.constant 0 : i32
    %sign3A_52 = arith.cmpi slt, %mul3A_2, %sign3A_51 : i32
    %sign3A_53 = arith.extui %sign3A_52 : i1 to i32
    %sign3A_54 = arith.subi %sign3A_50, %sign3A_53 : i32
    %sign3A_55 = arith.constant 0 : i32
    %sign3A_56 = arith.cmpi sgt, %jit3A_46, %sign3A_55 : i32
    %sign3A_57 = arith.extui %sign3A_56 : i1 to i32
    %sign3A_58 = arith.constant 0 : i32
    %sign3A_59 = arith.cmpi slt, %jit3A_46, %sign3A_58 : i32
    %sign3A_60 = arith.extui %sign3A_59 : i1 to i32
    %sign3A_61 = arith.subi %sign3A_57, %sign3A_60 : i32
    %ne3A_62 = arith.cmpi ne, %sign3A_54, %sign3A_61 : i32
    %rem3A_63 = arith.remsi %mul3A_2, %jit3A_46 : i32
    %ne3A_64 = arith.constant 0 : i32
    %ne3A_65 = arith.cmpi ne, %rem3A_63, %ne3A_64 : i32
    %and3A_66 = arith.andi %ne3A_62, %ne3A_65 : i1
    %sub3A_67 = arith.constant 1 : i32
    %sub3A_68 = arith.subi %div3A_47, %sub3A_67 : i32
    %select_n3A_69 = arith.select %and3A_66, %sub3A_68, %div3A_47 : i32
    %jit3A_70 = arith.constant 8 : i32
    %eq3A_71 = arith.constant 0 : i32
    %eq3A_72 = arith.cmpi eq, %jit3A_70, %eq3A_71 : i32
    %jit3A_73 = arith.constant 1 : i32
    %select_n3A_74 = arith.select %eq3A_72, %jit3A_73, %jit3A_70 : i32
    %rem3A_75 = arith.remsi %mul3A_2, %select_n3A_74 : i32
    %ne3A_76 = arith.constant 0 : i32
    %ne3A_77 = arith.cmpi ne, %rem3A_75, %ne3A_76 : i32
    %lt3A_78 = arith.constant 0 : i32
    %lt3A_79 = arith.cmpi slt, %rem3A_75, %lt3A_78 : i32
    %lt3A_80 = arith.constant 0 : i32
    %lt3A_81 = arith.cmpi slt, %select_n3A_74, %lt3A_80 : i32
    %ne3A_82 = arith.xori %lt3A_79, %lt3A_81 : i1
    %and3A_83 = arith.andi %ne3A_82, %ne3A_77 : i1
    %add3A_84 = arith.addi %rem3A_75, %select_n3A_74 : i32
    %select_n3A_85 = arith.select %and3A_83, %add3A_84, %rem3A_75 : i32
    %mul3A_86 = arith.constant 512 : i32
    %mul3A_87 = arith.muli %select_n3A_85, %mul3A_86 : i32
    %dma_start3A = tpu.memref_slice %arg4[%select_n3A_69, %mul3A_87] : memref<200x4096xi32, #tpu.memory_space<hbm>> -> memref<1x512xi32, #tpu.memory_space<hbm>>
    %dma_start3A_88 = tpu.memref_squeeze %dma_start3A : memref<1x512xi32, #tpu.memory_space<hbm>> -> memref<512xi32, #tpu.memory_space<hbm>>
    %dma_start3A_89 = tpu.memref_slice %arg4[%select_n3A_69, %mul3A_87] : memref<200x4096xi32, #tpu.memory_space<hbm>> -> memref<1x512xi32, #tpu.memory_space<hbm>>
    %dma_start3A_90 = tpu.memref_squeeze %dma_start3A_89 : memref<1x512xi32, #tpu.memory_space<hbm>> -> memref<512xi32, #tpu.memory_space<hbm>>
    tpu.enqueue_dma source(%dma_start3A_90 : memref<512xi32, #tpu.memory_space<hbm>>) target(%arg6 : memref<512xi32, #tpu.memory_space<vmem>>) target_semaphore(%arg12 : memref<!tpu.dma_semaphore, #tpu.memory_space<semaphore_mem>>)
    %dma_wait3A = tpu.memref_slice %arg4[%select_n3A_69, %mul3A_87] : memref<200x4096xi32, #tpu.memory_space<hbm>> -> memref<1x512xi32, #tpu.memory_space<hbm>>
    %dma_wait3A_91 = tpu.memref_squeeze %dma_wait3A : memref<1x512xi32, #tpu.memory_space<hbm>> -> memref<512xi32, #tpu.memory_space<hbm>>
    %dma_wait3A_92 = tpu.memref_slice %arg4[%select_n3A_69, %mul3A_87] : memref<200x4096xi32, #tpu.memory_space<hbm>> -> memref<1x512xi32, #tpu.memory_space<hbm>>
    %dma_wait3A_93 = tpu.memref_squeeze %dma_wait3A_92 : memref<1x512xi32, #tpu.memory_space<hbm>> -> memref<512xi32, #tpu.memory_space<hbm>>
    tpu.wait_dma2 semaphore(%arg12 : memref<!tpu.dma_semaphore, #tpu.memory_space<semaphore_mem>>) src(%dma_wait3A_93 : memref<512xi32, #tpu.memory_space<hbm>>) dst(%arg6 : memref<512xi32, #tpu.memory_space<vmem>>)
    %add3A_94 = arith.constant 1 : i32
    %add3A_95 = arith.addi %mul3A_2, %add3A_94 : i32
    %jit3A_96 = arith.constant 8 : i32
    %div3A_97 = arith.divsi %add3A_95, %jit3A_96 : i32
    %sign3A_98 = arith.constant 0 : i32
    %sign3A_99 = arith.cmpi sgt, %add3A_95, %sign3A_98 : i32
    %sign3A_100 = arith.extui %sign3A_99 : i1 to i32
    %sign3A_101 = arith.constant 0 : i32
    %sign3A_102 = arith.cmpi slt, %add3A_95, %sign3A_101 : i32
    %sign3A_103 = arith.extui %sign3A_102 : i1 to i32
    %sign3A_104 = arith.subi %sign3A_100, %sign3A_103 : i32
    %sign3A_105 = arith.constant 0 : i32
    %sign3A_106 = arith.cmpi sgt, %jit3A_96, %sign3A_105 : i32
    %sign3A_107 = arith.extui %sign3A_106 : i1 to i32
    %sign3A_108 = arith.constant 0 : i32
    %sign3A_109 = arith.cmpi slt, %jit3A_96, %sign3A_108 : i32
    %sign3A_110 = arith.extui %sign3A_109 : i1 to i32
    %sign3A_111 = arith.subi %sign3A_107, %sign3A_110 : i32
    %ne3A_112 = arith.cmpi ne, %sign3A_104, %sign3A_111 : i32
    %rem3A_113 = arith.remsi %add3A_95, %jit3A_96 : i32
    %ne3A_114 = arith.constant 0 : i32
    %ne3A_115 = arith.cmpi ne, %rem3A_113, %ne3A_114 : i32
    %and3A_116 = arith.andi %ne3A_112, %ne3A_115 : i1
    %sub3A_117 = arith.constant 1 : i32
    %sub3A_118 = arith.subi %div3A_97, %sub3A_117 : i32
    %select_n3A_119 = arith.select %and3A_116, %sub3A_118, %div3A_97 : i32
    %jit3A_120 = arith.constant 8 : i32
    %eq3A_121 = arith.constant 0 : i32
    %eq3A_122 = arith.cmpi eq, %jit3A_120, %eq3A_121 : i32
    %jit3A_123 = arith.constant 1 : i32
    %select_n3A_124 = arith.select %eq3A_122, %jit3A_123, %jit3A_120 : i32
    %rem3A_125 = arith.remsi %add3A_95, %select_n3A_124 : i32
    %ne3A_126 = arith.constant 0 : i32
    %ne3A_127 = arith.cmpi ne, %rem3A_125, %ne3A_126 : i32
    %lt3A_128 = arith.constant 0 : i32
    %lt3A_129 = arith.cmpi slt, %rem3A_125, %lt3A_128 : i32
    %lt3A_130 = arith.constant 0 : i32
    %lt3A_131 = arith.cmpi slt, %select_n3A_124, %lt3A_130 : i32
    %ne3A_132 = arith.xori %lt3A_129, %lt3A_131 : i1
    %and3A_133 = arith.andi %ne3A_132, %ne3A_127 : i1
    %add3A_134 = arith.addi %rem3A_125, %select_n3A_124 : i32
    %select_n3A_135 = arith.select %and3A_133, %add3A_134, %rem3A_125 : i32
    %mul3A_136 = arith.constant 512 : i32
    %mul3A_137 = arith.muli %select_n3A_135, %mul3A_136 : i32
    %dma_start3A_138 = tpu.memref_slice %arg4[%select_n3A_119, %mul3A_137] : memref<200x4096xi32, #tpu.memory_space<hbm>> -> memref<1x512xi32, #tpu.memory_space<hbm>>
    %dma_start3A_139 = tpu.memref_squeeze %dma_start3A_138 : memref<1x512xi32, #tpu.memory_space<hbm>> -> memref<512xi32, #tpu.memory_space<hbm>>
    %dma_start3A_140 = tpu.memref_slice %arg4[%select_n3A_119, %mul3A_137] : memref<200x4096xi32, #tpu.memory_space<hbm>> -> memref<1x512xi32, #tpu.memory_space<hbm>>
    %dma_start3A_141 = tpu.memref_squeeze %dma_start3A_140 : memref<1x512xi32, #tpu.memory_space<hbm>> -> memref<512xi32, #tpu.memory_space<hbm>>
    tpu.enqueue_dma source(%dma_start3A_141 : memref<512xi32, #tpu.memory_space<hbm>>) target(%arg7 : memref<512xi32, #tpu.memory_space<vmem>>) target_semaphore(%arg13 : memref<!tpu.dma_semaphore, #tpu.memory_space<semaphore_mem>>)
    %dma_start3A_142 = arith.constant 0 : i32
    %dma_start3A_143 = arith.constant 0 : i32
    %dma_start3A_144 = tpu.memref_slice %arg2[%dma_start3A_142, %dma_start3A_143] : memref<1000000x32xf32, #tpu.memory_space<hbm>> -> memref<1000000x32xf32, #tpu.memory_space<hbm>>
    tpu.enqueue_indirect_dma source(%dma_start3A_144 : memref<1000000x32xf32, #tpu.memory_space<hbm>>) target(%arg8 : memref<512x32xf32, #tpu.memory_space<vmem>>) offsets(%arg6 : memref<512xi32, #tpu.memory_space<vmem>>) semaphore(%arg14 : memref<!tpu.dma_semaphore, #tpu.memory_space<semaphore_mem>>)
    %scan3A = arith.constant 0 : i32
    %scan3A_145 = arith.constant 0 : i32
    %scan3A_146 = arith.constant 25 : i32
    %scan3A_147 = arith.addi %scan3A_145, %scan3A_146 : i32
    %scan3A_148 = arith.constant 1 : i32
    scf.for %scan3A_334 = %scan3A_145 to %scan3A_147 step %scan3A_148  : i32 {
      %mul3A_335 = arith.constant 2 : i32
      %mul3A_336 = arith.muli %mul3A_335, %scan3A_334 : i32
      %add3A_337 = arith.addi %mul3A_2, %mul3A_336 : i32
      %add3A_338 = arith.constant 0 : i32
      %add3A_339 = arith.addi %add3A_337, %add3A_338 : i32
      %dma_wait3A_340 = arith.constant 0 : i32
      %dma_wait3A_341 = arith.constant 0 : i32
      %dma_wait3A_342 = tpu.memref_slice %arg2[%dma_wait3A_340, %dma_wait3A_341] : memref<1000000x32xf32, #tpu.memory_space<hbm>> -> memref<1000000x32xf32, #tpu.memory_space<hbm>>
      tpu.wait_indirect_dma semaphore(%arg14 : memref<!tpu.dma_semaphore, #tpu.memory_space<semaphore_mem>>) src(%dma_wait3A_342 : memref<1000000x32xf32, #tpu.memory_space<hbm>>) dst(%arg8 : memref<512x32xf32, #tpu.memory_space<vmem>>)
      %mul3A_343 = arith.constant 2 : i32
      %mul3A_344 = arith.muli %mul3A_343, %scan3A_334 : i32
      %add3A_345 = arith.constant 0 : i32
      %add3A_346 = arith.addi %mul3A_344, %add3A_345 : i32
      %add3A_347 = arith.constant 2 : i32
      %add3A_348 = arith.addi %add3A_346, %add3A_347 : i32
      %lt3A_349 = arith.constant 50 : i32
      %lt3A_350 = arith.cmpi slt, %add3A_348, %lt3A_349 : i32
      %convert_element_type3A = arith.extui %lt3A_350 : i1 to i32
      %cond3A = arith.constant 0 : i32
      %cond3A_351 = arith.cmpi ne, %convert_element_type3A, %cond3A : i32
      scf.if %cond3A_351 {
        %add3A_678 = arith.constant 2 : i32
        %add3A_679 = arith.addi %add3A_339, %add3A_678 : i32
        %jit3A_680 = arith.constant 8 : i32
        %div3A_681 = arith.divsi %add3A_679, %jit3A_680 : i32
        %sign3A_682 = arith.constant 0 : i32
        %sign3A_683 = arith.cmpi sgt, %add3A_679, %sign3A_682 : i32
        %sign3A_684 = arith.extui %sign3A_683 : i1 to i32
        %sign3A_685 = arith.constant 0 : i32
        %sign3A_686 = arith.cmpi slt, %add3A_679, %sign3A_685 : i32
        %sign3A_687 = arith.extui %sign3A_686 : i1 to i32
        %sign3A_688 = arith.subi %sign3A_684, %sign3A_687 : i32
        %sign3A_689 = arith.constant 0 : i32
        %sign3A_690 = arith.cmpi sgt, %jit3A_680, %sign3A_689 : i32
        %sign3A_691 = arith.extui %sign3A_690 : i1 to i32
        %sign3A_692 = arith.constant 0 : i32
        %sign3A_693 = arith.cmpi slt, %jit3A_680, %sign3A_692 : i32
        %sign3A_694 = arith.extui %sign3A_693 : i1 to i32
        %sign3A_695 = arith.subi %sign3A_691, %sign3A_694 : i32
        %ne3A_696 = arith.cmpi ne, %sign3A_688, %sign3A_695 : i32
        %rem3A_697 = arith.remsi %add3A_679, %jit3A_680 : i32
        %ne3A_698 = arith.constant 0 : i32
        %ne3A_699 = arith.cmpi ne, %rem3A_697, %ne3A_698 : i32
        %and3A_700 = arith.andi %ne3A_696, %ne3A_699 : i1
        %sub3A_701 = arith.constant 1 : i32
        %sub3A_702 = arith.subi %div3A_681, %sub3A_701 : i32
        %select_n3A_703 = arith.select %and3A_700, %sub3A_702, %div3A_681 : i32
        %jit3A_704 = arith.constant 8 : i32
        %eq3A_705 = arith.constant 0 : i32
        %eq3A_706 = arith.cmpi eq, %jit3A_704, %eq3A_705 : i32
        %jit3A_707 = arith.constant 1 : i32
        %select_n3A_708 = arith.select %eq3A_706, %jit3A_707, %jit3A_704 : i32
        %rem3A_709 = arith.remsi %add3A_679, %select_n3A_708 : i32
        %ne3A_710 = arith.constant 0 : i32
        %ne3A_711 = arith.cmpi ne, %rem3A_709, %ne3A_710 : i32
        %lt3A_712 = arith.constant 0 : i32
        %lt3A_713 = arith.cmpi slt, %rem3A_709, %lt3A_712 : i32
        %lt3A_714 = arith.constant 0 : i32
        %lt3A_715 = arith.cmpi slt, %select_n3A_708, %lt3A_714 : i32
        %ne3A_716 = arith.xori %lt3A_713, %lt3A_715 : i1
        %and3A_717 = arith.andi %ne3A_716, %ne3A_711 : i1
        %add3A_718 = arith.addi %rem3A_709, %select_n3A_708 : i32
        %select_n3A_719 = arith.select %and3A_717, %add3A_718, %rem3A_709 : i32
        %mul3A_720 = arith.constant 512 : i32
        %mul3A_721 = arith.muli %select_n3A_719, %mul3A_720 : i32
        %dma_start3A_722 = tpu.memref_slice %arg4[%select_n3A_703, %mul3A_721] : memref<200x4096xi32, #tpu.memory_space<hbm>> -> memref<1x512xi32, #tpu.memory_space<hbm>>
        %dma_start3A_723 = tpu.memref_squeeze %dma_start3A_722 : memref<1x512xi32, #tpu.memory_space<hbm>> -> memref<512xi32, #tpu.memory_space<hbm>>
        %dma_start3A_724 = tpu.memref_slice %arg4[%select_n3A_703, %mul3A_721] : memref<200x4096xi32, #tpu.memory_space<hbm>> -> memref<1x512xi32, #tpu.memory_space<hbm>>
        %dma_start3A_725 = tpu.memref_squeeze %dma_start3A_724 : memref<1x512xi32, #tpu.memory_space<hbm>> -> memref<512xi32, #tpu.memory_space<hbm>>
        tpu.enqueue_dma source(%dma_start3A_725 : memref<512xi32, #tpu.memory_space<hbm>>) target(%arg6 : memref<512xi32, #tpu.memory_space<vmem>>) target_semaphore(%arg12 : memref<!tpu.dma_semaphore, #tpu.memory_space<semaphore_mem>>)
      } else {
      }
      %mul3A_352 = arith.constant 2 : i32
      %mul3A_353 = arith.muli %mul3A_352, %scan3A_334 : i32
      %add3A_354 = arith.constant 0 : i32
      %add3A_355 = arith.addi %mul3A_353, %add3A_354 : i32
      %add3A_356 = arith.constant 1 : i32
      %add3A_357 = arith.addi %add3A_355, %add3A_356 : i32
      %lt3A_358 = arith.constant 50 : i32
      %lt3A_359 = arith.cmpi slt, %add3A_357, %lt3A_358 : i32
      %convert_element_type3A_360 = arith.extui %lt3A_359 : i1 to i32
      %cond3A_361 = arith.constant 0 : i32
      %cond3A_362 = arith.cmpi ne, %convert_element_type3A_360, %cond3A_361 : i32
      scf.if %cond3A_362 {
        %dma_wait3A_678 = arith.constant 0 : i32
        %dma_wait3A_679 = arith.constant 0 : i32
        %dma_wait3A_680 = tpu.memref_slice %arg4[%dma_wait3A_678, %dma_wait3A_679] : memref<200x4096xi32, #tpu.memory_space<hbm>> -> memref<1x512xi32, #tpu.memory_space<hbm>>
        %dma_wait3A_681 = tpu.memref_squeeze %dma_wait3A_680 : memref<1x512xi32, #tpu.memory_space<hbm>> -> memref<512xi32, #tpu.memory_space<hbm>>
        %dma_wait3A_682 = arith.constant 0 : i32
        %dma_wait3A_683 = tpu.memref_slice %arg4[%dma_wait3A_678, %dma_wait3A_682] : memref<200x4096xi32, #tpu.memory_space<hbm>> -> memref<1x512xi32, #tpu.memory_space<hbm>>
        %dma_wait3A_684 = tpu.memref_squeeze %dma_wait3A_683 : memref<1x512xi32, #tpu.memory_space<hbm>> -> memref<512xi32, #tpu.memory_space<hbm>>
        tpu.wait_dma2 semaphore(%arg13 : memref<!tpu.dma_semaphore, #tpu.memory_space<semaphore_mem>>) src(%dma_wait3A_684 : memref<512xi32, #tpu.memory_space<hbm>>) dst(%arg7 : memref<512xi32, #tpu.memory_space<vmem>>)
        %dma_start3A_685 = arith.constant 0 : i32
        %dma_start3A_686 = arith.constant 0 : i32
        %dma_start3A_687 = tpu.memref_slice %arg2[%dma_start3A_685, %dma_start3A_686] : memref<1000000x32xf32, #tpu.memory_space<hbm>> -> memref<1000000x32xf32, #tpu.memory_space<hbm>>
        tpu.enqueue_indirect_dma source(%dma_start3A_687 : memref<1000000x32xf32, #tpu.memory_space<hbm>>) target(%arg9 : memref<512x32xf32, #tpu.memory_space<vmem>>) offsets(%arg7 : memref<512xi32, #tpu.memory_space<vmem>>) semaphore(%arg15 : memref<!tpu.dma_semaphore, #tpu.memory_space<semaphore_mem>>)
      } else {
      }
      %mul3A_363 = arith.constant 2 : i32
      %mul3A_364 = arith.muli %mul3A_363, %scan3A_334 : i32
      %add3A_365 = arith.constant 0 : i32
      %add3A_366 = arith.addi %mul3A_364, %add3A_365 : i32
      %ge3A = arith.constant 2 : i32
      %ge3A_367 = arith.cmpi sge, %add3A_366, %ge3A : i32
      %convert_element_type3A_368 = arith.extui %ge3A_367 : i1 to i32
      %cond3A_369 = arith.constant 0 : i32
      %cond3A_370 = arith.cmpi ne, %convert_element_type3A_368, %cond3A_369 : i32
      scf.if %cond3A_370 {
        %dma_wait3A_678 = arith.constant 0 : i32
        %dma_wait3A_679 = arith.constant 0 : i32
        %dma_wait3A_680 = arith.constant 0 : i32
        %dma_wait3A_681 = arith.constant 0 : i32
        %dma_wait3A_682 = arith.constant 0 : i32
        %dma_wait3A_683 = arith.constant 0 : i32
        %dma_wait3A_684 = tpu.memref_slice %arg10[%dma_wait3A_678, %dma_wait3A_681, %dma_wait3A_682, %dma_wait3A_683] : memref<4x4x8x129xf32, #tpu.memory_space<vmem>> -> memref<1x4x8x128xf32, #tpu.memory_space<vmem>>
        %dma_wait3A_685 = tpu.memref_squeeze %dma_wait3A_684 : memref<1x4x8x128xf32, #tpu.memory_space<vmem>> -> memref<4x8x128xf32, #tpu.memory_space<vmem>>
        %dma_wait3A_686 = arith.constant 0 : i32
        %dma_wait3A_687 = arith.constant 0 : i32
        %dma_wait3A_688 = arith.constant 0 : i32
        %dma_wait3A_689 = tpu.memref_slice %arg5[%dma_wait3A_679, %dma_wait3A_680, %dma_wait3A_686, %dma_wait3A_687, %dma_wait3A_688] : memref<200x4x32x8x128xf32, #tpu.memory_space<hbm>> -> memref<1x1x4x8x128xf32, #tpu.memory_space<hbm>>
        %dma_wait3A_690 = tpu.memref_squeeze %dma_wait3A_689 : memref<1x1x4x8x128xf32, #tpu.memory_space<hbm>> -> memref<4x8x128xf32, #tpu.memory_space<hbm>>
        %dma_wait3A_691 = arith.constant 0 : i32
        %dma_wait3A_692 = arith.constant 0 : i32
        %dma_wait3A_693 = arith.constant 0 : i32
        %dma_wait3A_694 = tpu.memref_slice %arg5[%dma_wait3A_679, %dma_wait3A_680, %dma_wait3A_691, %dma_wait3A_692, %dma_wait3A_693] : memref<200x4x32x8x128xf32, #tpu.memory_space<hbm>> -> memref<1x1x4x8x128xf32, #tpu.memory_space<hbm>>
        %dma_wait3A_695 = tpu.memref_squeeze %dma_wait3A_694 : memref<1x1x4x8x128xf32, #tpu.memory_space<hbm>> -> memref<4x8x128xf32, #tpu.memory_space<hbm>>
        %dma_wait3A_696 = arith.constant 0 : i32
        %dma_wait3A_697 = arith.constant 0 : i32
        %dma_wait3A_698 = arith.constant 0 : i32
        %dma_wait3A_699 = tpu.memref_slice %arg10[%dma_wait3A_678, %dma_wait3A_696, %dma_wait3A_697, %dma_wait3A_698] : memref<4x4x8x129xf32, #tpu.memory_space<vmem>> -> memref<1x4x8x128xf32, #tpu.memory_space<vmem>>
        %dma_wait3A_700 = tpu.memref_squeeze %dma_wait3A_699 : memref<1x4x8x128xf32, #tpu.memory_space<vmem>> -> memref<4x8x128xf32, #tpu.memory_space<vmem>>
        tpu.wait_dma2 semaphore(%arg16 : memref<!tpu.dma_semaphore, #tpu.memory_space<semaphore_mem>>) src(%dma_wait3A_700 : memref<4x8x128xf32, #tpu.memory_space<vmem>>) dst(%dma_wait3A_695 : memref<4x8x128xf32, #tpu.memory_space<hbm>>)
        %dma_wait3A_701 = arith.constant 0 : i32
        %dma_wait3A_702 = arith.constant 0 : i32
        %dma_wait3A_703 = arith.constant 0 : i32
        %dma_wait3A_704 = arith.constant 0 : i32
        %dma_wait3A_705 = arith.constant 0 : i32
        %dma_wait3A_706 = arith.constant 0 : i32
        %dma_wait3A_707 = tpu.memref_slice %arg10[%dma_wait3A_701, %dma_wait3A_704, %dma_wait3A_705, %dma_wait3A_706] : memref<4x4x8x129xf32, #tpu.memory_space<vmem>> -> memref<1x4x8x128xf32, #tpu.memory_space<vmem>>
        %dma_wait3A_708 = tpu.memref_squeeze %dma_wait3A_707 : memref<1x4x8x128xf32, #tpu.memory_space<vmem>> -> memref<4x8x128xf32, #tpu.memory_space<vmem>>
        %dma_wait3A_709 = arith.constant 0 : i32
        %dma_wait3A_710 = arith.constant 0 : i32
        %dma_wait3A_711 = arith.constant 0 : i32
        %dma_wait3A_712 = tpu.memref_slice %arg5[%dma_wait3A_702, %dma_wait3A_703, %dma_wait3A_709, %dma_wait3A_710, %dma_wait3A_711] : memref<200x4x32x8x128xf32, #tpu.memory_space<hbm>> -> memref<1x1x4x8x128xf32, #tpu.memory_space<hbm>>
        %dma_wait3A_713 = tpu.memref_squeeze %dma_wait3A_712 : memref<1x1x4x8x128xf32, #tpu.memory_space<hbm>> -> memref<4x8x128xf32, #tpu.memory_space<hbm>>
        %dma_wait3A_714 = arith.constant 0 : i32
        %dma_wait3A_715 = arith.constant 0 : i32
        %dma_wait3A_716 = arith.constant 0 : i32
        %dma_wait3A_717 = tpu.memref_slice %arg5[%dma_wait3A_702, %dma_wait3A_703, %dma_wait3A_714, %dma_wait3A_715, %dma_wait3A_716] : memref<200x4x32x8x128xf32, #tpu.memory_space<hbm>> -> memref<1x1x4x8x128xf32, #tpu.memory_space<hbm>>
        %dma_wait3A_718 = tpu.memref_squeeze %dma_wait3A_717 : memref<1x1x4x8x128xf32, #tpu.memory_space<hbm>> -> memref<4x8x128xf32, #tpu.memory_space<hbm>>
        %dma_wait3A_719 = arith.constant 0 : i32
        %dma_wait3A_720 = arith.constant 0 : i32
        %dma_wait3A_721 = arith.constant 0 : i32
        %dma_wait3A_722 = tpu.memref_slice %arg10[%dma_wait3A_701, %dma_wait3A_719, %dma_wait3A_720, %dma_wait3A_721] : memref<4x4x8x129xf32, #tpu.memory_space<vmem>> -> memref<1x4x8x128xf32, #tpu.memory_space<vmem>>
        %dma_wait3A_723 = tpu.memref_squeeze %dma_wait3A_722 : memref<1x4x8x128xf32, #tpu.memory_space<vmem>> -> memref<4x8x128xf32, #tpu.memory_space<vmem>>
        tpu.wait_dma2 semaphore(%arg16 : memref<!tpu.dma_semaphore, #tpu.memory_space<semaphore_mem>>) src(%dma_wait3A_723 : memref<4x8x128xf32, #tpu.memory_space<vmem>>) dst(%dma_wait3A_718 : memref<4x8x128xf32, #tpu.memory_space<hbm>>)
        %dma_wait3A_724 = arith.constant 0 : i32
        %dma_wait3A_725 = arith.constant 0 : i32
        %dma_wait3A_726 = arith.constant 0 : i32
        %dma_wait3A_727 = arith.constant 0 : i32
        %dma_wait3A_728 = arith.constant 0 : i32
        %dma_wait3A_729 = arith.constant 0 : i32
        %dma_wait3A_730 = tpu.memref_slice %arg10[%dma_wait3A_724, %dma_wait3A_727, %dma_wait3A_728, %dma_wait3A_729] : memref<4x4x8x129xf32, #tpu.memory_space<vmem>> -> memref<1x4x8x128xf32, #tpu.memory_space<vmem>>
        %dma_wait3A_731 = tpu.memref_squeeze %dma_wait3A_730 : memref<1x4x8x128xf32, #tpu.memory_space<vmem>> -> memref<4x8x128xf32, #tpu.memory_space<vmem>>
        %dma_wait3A_732 = arith.constant 0 : i32
        %dma_wait3A_733 = arith.constant 0 : i32
        %dma_wait3A_734 = arith.constant 0 : i32
        %dma_wait3A_735 = tpu.memref_slice %arg5[%dma_wait3A_725, %dma_wait3A_726, %dma_wait3A_732, %dma_wait3A_733, %dma_wait3A_734] : memref<200x4x32x8x128xf32, #tpu.memory_space<hbm>> -> memref<1x1x4x8x128xf32, #tpu.memory_space<hbm>>
        %dma_wait3A_736 = tpu.memref_squeeze %dma_wait3A_735 : memref<1x1x4x8x128xf32, #tpu.memory_space<hbm>> -> memref<4x8x128xf32, #tpu.memory_space<hbm>>
        %dma_wait3A_737 = arith.constant 0 : i32
        %dma_wait3A_738 = arith.constant 0 : i32
        %dma_wait3A_739 = arith.constant 0 : i32
        %dma_wait3A_740 = tpu.memref_slice %arg5[%dma_wait3A_725, %dma_wait3A_726, %dma_wait3A_737, %dma_wait3A_738, %dma_wait3A_739] : memref<200x4x32x8x128xf32, #tpu.memory_space<hbm>> -> memref<1x1x4x8x128xf32, #tpu.memory_space<hbm>>
        %dma_wait3A_741 = tpu.memref_squeeze %dma_wait3A_740 : memref<1x1x4x8x128xf32, #tpu.memory_space<hbm>> -> memref<4x8x128xf32, #tpu.memory_space<hbm>>
        %dma_wait3A_742 = arith.constant 0 : i32
        %dma_wait3A_743 = arith.constant 0 : i32
        %dma_wait3A_744 = arith.constant 0 : i32
        %dma_wait3A_745 = tpu.memref_slice %arg10[%dma_wait3A_724, %dma_wait3A_742, %dma_wait3A_743, %dma_wait3A_744] : memref<4x4x8x129xf32, #tpu.memory_space<vmem>> -> memref<1x4x8x128xf32, #tpu.memory_space<vmem>>
        %dma_wait3A_746 = tpu.memref_squeeze %dma_wait3A_745 : memref<1x4x8x128xf32, #tpu.memory_space<vmem>> -> memref<4x8x128xf32, #tpu.memory_space<vmem>>
        tpu.wait_dma2 semaphore(%arg16 : memref<!tpu.dma_semaphore, #tpu.memory_space<semaphore_mem>>) src(%dma_wait3A_746 : memref<4x8x128xf32, #tpu.memory_space<vmem>>) dst(%dma_wait3A_741 : memref<4x8x128xf32, #tpu.memory_space<hbm>>)
        %dma_wait3A_747 = arith.constant 0 : i32
        %dma_wait3A_748 = arith.constant 0 : i32
        %dma_wait3A_749 = arith.constant 0 : i32
        %dma_wait3A_750 = arith.constant 0 : i32
        %dma_wait3A_751 = arith.constant 0 : i32
        %dma_wait3A_752 = arith.constant 0 : i32
        %dma_wait3A_753 = tpu.memref_slice %arg10[%dma_wait3A_747, %dma_wait3A_750, %dma_wait3A_751, %dma_wait3A_752] : memref<4x4x8x129xf32, #tpu.memory_space<vmem>> -> memref<1x4x8x128xf32, #tpu.memory_space<vmem>>
        %dma_wait3A_754 = tpu.memref_squeeze %dma_wait3A_753 : memref<1x4x8x128xf32, #tpu.memory_space<vmem>> -> memref<4x8x128xf32, #tpu.memory_space<vmem>>
        %dma_wait3A_755 = arith.constant 0 : i32
        %dma_wait3A_756 = arith.constant 0 : i32
        %dma_wait3A_757 = arith.constant 0 : i32
        %dma_wait3A_758 = tpu.memref_slice %arg5[%dma_wait3A_748, %dma_wait3A_749, %dma_wait3A_755, %dma_wait3A_756, %dma_wait3A_757] : memref<200x4x32x8x128xf32, #tpu.memory_space<hbm>> -> memref<1x1x4x8x128xf32, #tpu.memory_space<hbm>>
        %dma_wait3A_759 = tpu.memref_squeeze %dma_wait3A_758 : memref<1x1x4x8x128xf32, #tpu.memory_space<hbm>> -> memref<4x8x128xf32, #tpu.memory_space<hbm>>
        %dma_wait3A_760 = arith.constant 0 : i32
        %dma_wait3A_761 = arith.constant 0 : i32
        %dma_wait3A_762 = arith.constant 0 : i32
        %dma_wait3A_763 = tpu.memref_slice %arg5[%dma_wait3A_748, %dma_wait3A_749, %dma_wait3A_760, %dma_wait3A_761, %dma_wait3A_762] : memref<200x4x32x8x128xf32, #tpu.memory_space<hbm>> -> memref<1x1x4x8x128xf32, #tpu.memory_space<hbm>>
        %dma_wait3A_764 = tpu.memref_squeeze %dma_wait3A_763 : memref<1x1x4x8x128xf32, #tpu.memory_space<hbm>> -> memref<4x8x128xf32, #tpu.memory_space<hbm>>
        %dma_wait3A_765 = arith.constant 0 : i32
        %dma_wait3A_766 = arith.constant 0 : i32
        %dma_wait3A_767 = arith.constant 0 : i32
        %dma_wait3A_768 = tpu.memref_slice %arg10[%dma_wait3A_747, %dma_wait3A_765, %dma_wait3A_766, %dma_wait3A_767] : memref<4x4x8x129xf32, #tpu.memory_space<vmem>> -> memref<1x4x8x128xf32, #tpu.memory_space<vmem>>
        %dma_wait3A_769 = tpu.memref_squeeze %dma_wait3A_768 : memref<1x4x8x128xf32, #tpu.memory_space<vmem>> -> memref<4x8x128xf32, #tpu.memory_space<vmem>>
        tpu.wait_dma2 semaphore(%arg16 : memref<!tpu.dma_semaphore, #tpu.memory_space<semaphore_mem>>) src(%dma_wait3A_769 : memref<4x8x128xf32, #tpu.memory_space<vmem>>) dst(%dma_wait3A_764 : memref<4x8x128xf32, #tpu.memory_space<hbm>>)
      } else {
      }
      %scan3A_371 = arith.constant 0 : i32
      %scan3A_372 = arith.constant 0 : i32
      %scan3A_373 = arith.constant 64 : i32
      %scan3A_374 = arith.addi %scan3A_372, %scan3A_373 : i32
      %scan3A_375 = arith.constant 1 : i32
      scf.for %scan3A_678 = %scan3A_372 to %scan3A_374 step %scan3A_375  : i32 {
        %jit3A_679 = arith.constant 16 : i32
        %div3A_680 = arith.divsi %scan3A_678, %jit3A_679 : i32
        %sign3A_681 = arith.constant 0 : i32
        %sign3A_682 = arith.cmpi sgt, %scan3A_678, %sign3A_681 : i32
        %sign3A_683 = arith.extui %sign3A_682 : i1 to i32
        %sign3A_684 = arith.constant 0 : i32
        %sign3A_685 = arith.cmpi slt, %scan3A_678, %sign3A_684 : i32
        %sign3A_686 = arith.extui %sign3A_685 : i1 to i32
        %sign3A_687 = arith.subi %sign3A_683, %sign3A_686 : i32
        %sign3A_688 = arith.constant 0 : i32
        %sign3A_689 = arith.cmpi sgt, %jit3A_679, %sign3A_688 : i32
        %sign3A_690 = arith.extui %sign3A_689 : i1 to i32
        %sign3A_691 = arith.constant 0 : i32
        %sign3A_692 = arith.cmpi slt, %jit3A_679, %sign3A_691 : i32
        %sign3A_693 = arith.extui %sign3A_692 : i1 to i32
        %sign3A_694 = arith.subi %sign3A_690, %sign3A_693 : i32
        %ne3A_695 = arith.cmpi ne, %sign3A_687, %sign3A_694 : i32
        %rem3A_696 = arith.remsi %scan3A_678, %jit3A_679 : i32
        %ne3A_697 = arith.constant 0 : i32
        %ne3A_698 = arith.cmpi ne, %rem3A_696, %ne3A_697 : i32
        %and3A_699 = arith.andi %ne3A_695, %ne3A_698 : i1
        %sub3A_700 = arith.constant 1 : i32
        %sub3A_701 = arith.subi %div3A_680, %sub3A_700 : i32
        %select_n3A_702 = arith.select %and3A_699, %sub3A_701, %div3A_680 : i32
        %broadcast_in_dim3A = vector.broadcast %select_n3A_702 : i32 to vector<16xi32>
        %jit3A_703 = arith.constant 16 : i32
        %eq3A_704 = arith.constant 0 : i32
        %eq3A_705 = arith.cmpi eq, %jit3A_703, %eq3A_704 : i32
        %jit3A_706 = arith.constant 1 : i32
        %select_n3A_707 = arith.select %eq3A_705, %jit3A_706, %jit3A_703 : i32
        %rem3A_708 = arith.remsi %scan3A_678, %select_n3A_707 : i32
        %ne3A_709 = arith.constant 0 : i32
        %ne3A_710 = arith.cmpi ne, %rem3A_708, %ne3A_709 : i32
        %lt3A_711 = arith.constant 0 : i32
        %lt3A_712 = arith.cmpi slt, %rem3A_708, %lt3A_711 : i32
        %lt3A_713 = arith.constant 0 : i32
        %lt3A_714 = arith.cmpi slt, %select_n3A_707, %lt3A_713 : i32
        %ne3A_715 = arith.xori %lt3A_712, %lt3A_714 : i1
        %and3A_716 = arith.andi %ne3A_715, %ne3A_710 : i1
        %add3A_717 = arith.addi %rem3A_708, %select_n3A_707 : i32
        %select_n3A_718 = arith.select %and3A_716, %add3A_717, %rem3A_708 : i32
        %mul3A_719 = arith.constant 8 : i32
        %mul3A_720 = arith.muli %select_n3A_718, %mul3A_719 : i32
        %mul3A_721 = arith.constant 8 : i32
        %mul3A_722 = arith.muli %scan3A_678, %mul3A_721 : i32
        %add3A_723 = arith.constant 0 : i32
        %add3A_724 = arith.addi %mul3A_722, %add3A_723 : i32
        %add3A_725 = arith.constant 0 : i32
        %add3A_726 = arith.addi %mul3A_720, %add3A_725 : i32
        %broadcast_in_dim3A_727 = vector.broadcast %add3A_726 : i32 to vector<16xi32>
        %get3A = arith.index_cast %add3A_724 : i32 to index
        %get3A_728 = arith.constant 0 : index
        %get3A_729 = tpu.vector_load %arg8[%get3A, %get3A_728] {strides = array<i32>} : memref<512x32xf32, #tpu.memory_space<vmem>>, vector<16xf32>,
        %get3A_730 = arith.index_cast %add3A_724 : i32 to index
        %get3A_731 = arith.constant 16 : index
        %get3A_732 = tpu.vector_load %arg8[%get3A_730, %get3A_731] {strides = array<i32>} : memref<512x32xf32, #tpu.memory_space<vmem>>, vector<16xf32>,
        %mul3A_733 = arith.constant 8 : i32
        %mul3A_734 = arith.muli %scan3A_678, %mul3A_733 : i32
        %add3A_735 = arith.constant 1 : i32
        %add3A_736 = arith.addi %mul3A_734, %add3A_735 : i32
        %add3A_737 = arith.constant 1 : i32
        %add3A_738 = arith.addi %mul3A_720, %add3A_737 : i32
        %broadcast_in_dim3A_739 = vector.broadcast %add3A_738 : i32 to vector<16xi32>
        %get3A_740 = arith.index_cast %add3A_736 : i32 to index
        %get3A_741 = arith.constant 0 : index
        %get3A_742 = tpu.vector_load %arg8[%get3A_740, %get3A_741] {strides = array<i32>} : memref<512x32xf32, #tpu.memory_space<vmem>>, vector<16xf32>,
        %get3A_743 = arith.index_cast %add3A_736 : i32 to index
        %get3A_744 = arith.constant 16 : index
        %get3A_745 = tpu.vector_load %arg8[%get3A_743, %get3A_744] {strides = array<i32>} : memref<512x32xf32, #tpu.memory_space<vmem>>, vector<16xf32>,
        %mul3A_746 = arith.constant 8 : i32
        %mul3A_747 = arith.muli %scan3A_678, %mul3A_746 : i32
        %add3A_748 = arith.constant 2 : i32
        %add3A_749 = arith.addi %mul3A_747, %add3A_748 : i32
        %add3A_750 = arith.constant 2 : i32
        %add3A_751 = arith.addi %mul3A_720, %add3A_750 : i32
        %broadcast_in_dim3A_752 = vector.broadcast %add3A_751 : i32 to vector<16xi32>
        %get3A_753 = arith.index_cast %add3A_749 : i32 to index
        %get3A_754 = arith.constant 0 : index
        %get3A_755 = tpu.vector_load %arg8[%get3A_753, %get3A_754] {strides = array<i32>} : memref<512x32xf32, #tpu.memory_space<vmem>>, vector<16xf32>,
        %get3A_756 = arith.index_cast %add3A_749 : i32 to index
        %get3A_757 = arith.constant 16 : index
        %get3A_758 = tpu.vector_load %arg8[%get3A_756, %get3A_757] {strides = array<i32>} : memref<512x32xf32, #tpu.memory_space<vmem>>, vector<16xf32>,
        %mul3A_759 = arith.constant 8 : i32
        %mul3A_760 = arith.muli %scan3A_678, %mul3A_759 : i32
        %add3A_761 = arith.constant 3 : i32
        %add3A_762 = arith.addi %mul3A_760, %add3A_761 : i32
        %add3A_763 = arith.constant 3 : i32
        %add3A_764 = arith.addi %mul3A_720, %add3A_763 : i32
        %broadcast_in_dim3A_765 = vector.broadcast %add3A_764 : i32 to vector<16xi32>
        %get3A_766 = arith.index_cast %add3A_762 : i32 to index
        %get3A_767 = arith.constant 0 : index
        %get3A_768 = tpu.vector_load %arg8[%get3A_766, %get3A_767] {strides = array<i32>} : memref<512x32xf32, #tpu.memory_space<vmem>>, vector<16xf32>,
        %get3A_769 = arith.index_cast %add3A_762 : i32 to index
        %get3A_770 = arith.constant 16 : index
        %get3A_771 = tpu.vector_load %arg8[%get3A_769, %get3A_770] {strides = array<i32>} : memref<512x32xf32, #tpu.memory_space<vmem>>, vector<16xf32>,
        %mul3A_772 = arith.constant 8 : i32
        %mul3A_773 = arith.muli %scan3A_678, %mul3A_772 : i32
        %add3A_774 = arith.constant 4 : i32
        %add3A_775 = arith.addi %mul3A_773, %add3A_774 : i32
        %add3A_776 = arith.constant 4 : i32
        %add3A_777 = arith.addi %mul3A_720, %add3A_776 : i32
        %broadcast_in_dim3A_778 = vector.broadcast %add3A_777 : i32 to vector<16xi32>
        %get3A_779 = arith.index_cast %add3A_775 : i32 to index
        %get3A_780 = arith.constant 0 : index
        %get3A_781 = tpu.vector_load %arg8[%get3A_779, %get3A_780] {strides = array<i32>} : memref<512x32xf32, #tpu.memory_space<vmem>>, vector<16xf32>,
        %get3A_782 = arith.index_cast %add3A_775 : i32 to index
        %get3A_783 = arith.constant 16 : index
        %get3A_784 = tpu.vector_load %arg8[%get3A_782, %get3A_783] {strides = array<i32>} : memref<512x32xf32, #tpu.memory_space<vmem>>, vector<16xf32>,
        %mul3A_785 = arith.constant 8 : i32
        %mul3A_786 = arith.muli %scan3A_678, %mul3A_785 : i32
        %add3A_787 = arith.constant 5 : i32
        %add3A_788 = arith.addi %mul3A_786, %add3A_787 : i32
        %add3A_789 = arith.constant 5 : i32
        %add3A_790 = arith.addi %mul3A_720, %add3A_789 : i32
        %broadcast_in_dim3A_791 = vector.broadcast %add3A_790 : i32 to vector<16xi32>
        %get3A_792 = arith.index_cast %add3A_788 : i32 to index
        %get3A_793 = arith.constant 0 : index
        %get3A_794 = tpu.vector_load %arg8[%get3A_792, %get3A_793] {strides = array<i32>} : memref<512x32xf32, #tpu.memory_space<vmem>>, vector<16xf32>,
        %get3A_795 = arith.index_cast %add3A_788 : i32 to index
        %get3A_796 = arith.constant 16 : index
        %get3A_797 = tpu.vector_load %arg8[%get3A_795, %get3A_796] {strides = array<i32>} : memref<512x32xf32, #tpu.memory_space<vmem>>, vector<16xf32>,
        %mul3A_798 = arith.constant 8 : i32
        %mul3A_799 = arith.muli %scan3A_678, %mul3A_798 : i32
        %add3A_800 = arith.constant 6 : i32
        %add3A_801 = arith.addi %mul3A_799, %add3A_800 : i32
        %add3A_802 = arith.constant 6 : i32
        %add3A_803 = arith.addi %mul3A_720, %add3A_802 : i32
        %broadcast_in_dim3A_804 = vector.broadcast %add3A_803 : i32 to vector<16xi32>
        %get3A_805 = arith.index_cast %add3A_801 : i32 to index
        %get3A_806 = arith.constant 0 : index
        %get3A_807 = tpu.vector_load %arg8[%get3A_805, %get3A_806] {strides = array<i32>} : memref<512x32xf32, #tpu.memory_space<vmem>>, vector<16xf32>,
        %get3A_808 = arith.index_cast %add3A_801 : i32 to index
        %get3A_809 = arith.constant 16 : index
        %get3A_810 = tpu.vector_load %arg8[%get3A_808, %get3A_809] {strides = array<i32>} : memref<512x32xf32, #tpu.memory_space<vmem>>, vector<16xf32>,
        %mul3A_811 = arith.constant 8 : i32
        %mul3A_812 = arith.muli %scan3A_678, %mul3A_811 : i32
        %add3A_813 = arith.constant 7 : i32
        %add3A_814 = arith.addi %mul3A_812, %add3A_813 : i32
        %add3A_815 = arith.constant 7 : i32
        %add3A_816 = arith.addi %mul3A_720, %add3A_815 : i32
        %broadcast_in_dim3A_817 = vector.broadcast %add3A_816 : i32 to vector<16xi32>
        %get3A_818 = arith.index_cast %add3A_814 : i32 to index
        %get3A_819 = arith.constant 0 : index
        %get3A_820 = tpu.vector_load %arg8[%get3A_818, %get3A_819] {strides = array<i32>} : memref<512x32xf32, #tpu.memory_space<vmem>>, vector<16xf32>,
        %get3A_821 = arith.index_cast %add3A_814 : i32 to index
        %get3A_822 = arith.constant 16 : index
        %get3A_823 = tpu.vector_load %arg8[%get3A_821, %get3A_822] {strides = array<i32>} : memref<512x32xf32, #tpu.memory_space<vmem>>, vector<16xf32>,
        tpu.vector_store_idx %arg10[%select_n3A, %broadcast_in_dim3A, %select_n3A_45, %broadcast_in_dim3A_727], %get3A_729 : memref<4x4x8x129xf32, #tpu.memory_space<vmem>>[vector<16xi32>, vector<16xi32>, vector<16xi32>, vector<16xi32>], vector<16xf32>,
        %add3A_824 = arith.constant 2 : i32
        %add3A_825 = vector.broadcast %add3A_824 : i32 to vector<16xi32>
        %add3A_826 = arith.addi %select_n3A, %add3A_825 : vector<16xi32>
        tpu.vector_store_idx %arg10[%add3A_826, %broadcast_in_dim3A, %select_n3A_45, %broadcast_in_dim3A_727], %get3A_732 : memref<4x4x8x129xf32, #tpu.memory_space<vmem>>[vector<16xi32>, vector<16xi32>, vector<16xi32>, vector<16xi32>], vector<16xf32>,
        tpu.vector_store_idx %arg10[%select_n3A, %broadcast_in_dim3A, %select_n3A_45, %broadcast_in_dim3A_739], %get3A_742 : memref<4x4x8x129xf32, #tpu.memory_space<vmem>>[vector<16xi32>, vector<16xi32>, vector<16xi32>, vector<16xi32>], vector<16xf32>,
        %add3A_827 = arith.constant 2 : i32
        %add3A_828 = vector.broadcast %add3A_827 : i32 to vector<16xi32>
        %add3A_829 = arith.addi %select_n3A, %add3A_828 : vector<16xi32>
        tpu.vector_store_idx %arg10[%add3A_829, %broadcast_in_dim3A, %select_n3A_45, %broadcast_in_dim3A_739], %get3A_745 : memref<4x4x8x129xf32, #tpu.memory_space<vmem>>[vector<16xi32>, vector<16xi32>, vector<16xi32>, vector<16xi32>], vector<16xf32>,
        tpu.vector_store_idx %arg10[%select_n3A, %broadcast_in_dim3A, %select_n3A_45, %broadcast_in_dim3A_752], %get3A_755 : memref<4x4x8x129xf32, #tpu.memory_space<vmem>>[vector<16xi32>, vector<16xi32>, vector<16xi32>, vector<16xi32>], vector<16xf32>,
        %add3A_830 = arith.constant 2 : i32
        %add3A_831 = vector.broadcast %add3A_830 : i32 to vector<16xi32>
        %add3A_832 = arith.addi %select_n3A, %add3A_831 : vector<16xi32>
        tpu.vector_store_idx %arg10[%add3A_832, %broadcast_in_dim3A, %select_n3A_45, %broadcast_in_dim3A_752], %get3A_758 : memref<4x4x8x129xf32, #tpu.memory_space<vmem>>[vector<16xi32>, vector<16xi32>, vector<16xi32>, vector<16xi32>], vector<16xf32>,
        tpu.vector_store_idx %arg10[%select_n3A, %broadcast_in_dim3A, %select_n3A_45, %broadcast_in_dim3A_765], %get3A_768 : memref<4x4x8x129xf32, #tpu.memory_space<vmem>>[vector<16xi32>, vector<16xi32>, vector<16xi32>, vector<16xi32>], vector<16xf32>,
        %add3A_833 = arith.constant 2 : i32
        %add3A_834 = vector.broadcast %add3A_833 : i32 to vector<16xi32>
        %add3A_835 = arith.addi %select_n3A, %add3A_834 : vector<16xi32>
        tpu.vector_store_idx %arg10[%add3A_835, %broadcast_in_dim3A, %select_n3A_45, %broadcast_in_dim3A_765], %get3A_771 : memref<4x4x8x129xf32, #tpu.memory_space<vmem>>[vector<16xi32>, vector<16xi32>, vector<16xi32>, vector<16xi32>], vector<16xf32>,
        tpu.vector_store_idx %arg10[%select_n3A, %broadcast_in_dim3A, %select_n3A_45, %broadcast_in_dim3A_778], %get3A_781 : memref<4x4x8x129xf32, #tpu.memory_space<vmem>>[vector<16xi32>, vector<16xi32>, vector<16xi32>, vector<16xi32>], vector<16xf32>,
        %add3A_836 = arith.constant 2 : i32
        %add3A_837 = vector.broadcast %add3A_836 : i32 to vector<16xi32>
        %add3A_838 = arith.addi %select_n3A, %add3A_837 : vector<16xi32>
        tpu.vector_store_idx %arg10[%add3A_838, %broadcast_in_dim3A, %select_n3A_45, %broadcast_in_dim3A_778], %get3A_784 : memref<4x4x8x129xf32, #tpu.memory_space<vmem>>[vector<16xi32>, vector<16xi32>, vector<16xi32>, vector<16xi32>], vector<16xf32>,
        tpu.vector_store_idx %arg10[%select_n3A, %broadcast_in_dim3A, %select_n3A_45, %broadcast_in_dim3A_791], %get3A_794 : memref<4x4x8x129xf32, #tpu.memory_space<vmem>>[vector<16xi32>, vector<16xi32>, vector<16xi32>, vector<16xi32>], vector<16xf32>,
        %add3A_839 = arith.constant 2 : i32
        %add3A_840 = vector.broadcast %add3A_839 : i32 to vector<16xi32>
        %add3A_841 = arith.addi %select_n3A, %add3A_840 : vector<16xi32>
        tpu.vector_store_idx %arg10[%add3A_841, %broadcast_in_dim3A, %select_n3A_45, %broadcast_in_dim3A_791], %get3A_797 : memref<4x4x8x129xf32, #tpu.memory_space<vmem>>[vector<16xi32>, vector<16xi32>, vector<16xi32>, vector<16xi32>], vector<16xf32>,
        tpu.vector_store_idx %arg10[%select_n3A, %broadcast_in_dim3A, %select_n3A_45, %broadcast_in_dim3A_804], %get3A_807 : memref<4x4x8x129xf32, #tpu.memory_space<vmem>>[vector<16xi32>, vector<16xi32>, vector<16xi32>, vector<16xi32>], vector<16xf32>,
        %add3A_842 = arith.constant 2 : i32
        %add3A_843 = vector.broadcast %add3A_842 : i32 to vector<16xi32>
        %add3A_844 = arith.addi %select_n3A, %add3A_843 : vector<16xi32>
        tpu.vector_store_idx %arg10[%add3A_844, %broadcast_in_dim3A, %select_n3A_45, %broadcast_in_dim3A_804], %get3A_810 : memref<4x4x8x129xf32, #tpu.memory_space<vmem>>[vector<16xi32>, vector<16xi32>, vector<16xi32>, vector<16xi32>], vector<16xf32>,
        tpu.vector_store_idx %arg10[%select_n3A, %broadcast_in_dim3A, %select_n3A_45, %broadcast_in_dim3A_817], %get3A_820 : memref<4x4x8x129xf32, #tpu.memory_space<vmem>>[vector<16xi32>, vector<16xi32>, vector<16xi32>, vector<16xi32>], vector<16xf32>,
        %add3A_845 = arith.constant 2 : i32
        %add3A_846 = vector.broadcast %add3A_845 : i32 to vector<16xi32>
        %add3A_847 = arith.addi %select_n3A, %add3A_846 : vector<16xi32>
        tpu.vector_store_idx %arg10[%add3A_847, %broadcast_in_dim3A, %select_n3A_45, %broadcast_in_dim3A_817], %get3A_823 : memref<4x4x8x129xf32, #tpu.memory_space<vmem>>[vector<16xi32>, vector<16xi32>, vector<16xi32>, vector<16xi32>], vector<16xf32>,
      }
      %scan3A_376 = arith.constant 64 : i32
      %jit3A_377 = arith.constant 8 : i32
      %div3A_378 = arith.divsi %add3A_339, %jit3A_377 : i32
      %sign3A_379 = arith.constant 0 : i32
      %sign3A_380 = arith.cmpi sgt, %add3A_339, %sign3A_379 : i32
      %sign3A_381 = arith.extui %sign3A_380 : i1 to i32
      %sign3A_382 = arith.constant 0 : i32
      %sign3A_383 = arith.cmpi slt, %add3A_339, %sign3A_382 : i32
      %sign3A_384 = arith.extui %sign3A_383 : i1 to i32
      %sign3A_385 = arith.subi %sign3A_381, %sign3A_384 : i32
      %sign3A_386 = arith.constant 0 : i32
      %sign3A_387 = arith.cmpi sgt, %jit3A_377, %sign3A_386 : i32
      %sign3A_388 = arith.extui %sign3A_387 : i1 to i32
      %sign3A_389 = arith.constant 0 : i32
      %sign3A_390 = arith.cmpi slt, %jit3A_377, %sign3A_389 : i32
      %sign3A_391 = arith.extui %sign3A_390 : i1 to i32
      %sign3A_392 = arith.subi %sign3A_388, %sign3A_391 : i32
      %ne3A_393 = arith.cmpi ne, %sign3A_385, %sign3A_392 : i32
      %rem3A_394 = arith.remsi %add3A_339, %jit3A_377 : i32
      %ne3A_395 = arith.constant 0 : i32
      %ne3A_396 = arith.cmpi ne, %rem3A_394, %ne3A_395 : i32
      %and3A_397 = arith.andi %ne3A_393, %ne3A_396 : i1
      %sub3A_398 = arith.constant 1 : i32
      %sub3A_399 = arith.subi %div3A_378, %sub3A_398 : i32
      %select_n3A_400 = arith.select %and3A_397, %sub3A_399, %div3A_378 : i32
      %jit3A_401 = arith.constant 8 : i32
      %eq3A_402 = arith.constant 0 : i32
      %eq3A_403 = arith.cmpi eq, %jit3A_401, %eq3A_402 : i32
      %jit3A_404 = arith.constant 1 : i32
      %select_n3A_405 = arith.select %eq3A_403, %jit3A_404, %jit3A_401 : i32
      %rem3A_406 = arith.remsi %add3A_339, %select_n3A_405 : i32
      %ne3A_407 = arith.constant 0 : i32
      %ne3A_408 = arith.cmpi ne, %rem3A_406, %ne3A_407 : i32
      %lt3A_409 = arith.constant 0 : i32
      %lt3A_410 = arith.cmpi slt, %rem3A_406, %lt3A_409 : i32
      %lt3A_411 = arith.constant 0 : i32
      %lt3A_412 = arith.cmpi slt, %select_n3A_405, %lt3A_411 : i32
      %ne3A_413 = arith.xori %lt3A_410, %lt3A_412 : i1
      %and3A_414 = arith.andi %ne3A_413, %ne3A_408 : i1
      %add3A_415 = arith.addi %rem3A_406, %select_n3A_405 : i32
      %select_n3A_416 = arith.select %and3A_414, %add3A_415, %rem3A_406 : i32
      %mul3A_417 = arith.constant 4 : i32
      %mul3A_418 = arith.muli %select_n3A_416, %mul3A_417 : i32
      %dma_start3A_419 = arith.constant 0 : i32
      %dma_start3A_420 = arith.constant 0 : i32
      %dma_start3A_421 = arith.constant 0 : i32
      %dma_start3A_422 = arith.constant 0 : i32
      %dma_start3A_423 = arith.constant 0 : i32
      %dma_start3A_424 = tpu.memref_slice %arg10[%dma_start3A_419, %dma_start3A_421, %dma_start3A_422, %dma_start3A_423] : memref<4x4x8x129xf32, #tpu.memory_space<vmem>> -> memref<1x4x8x128xf32, #tpu.memory_space<vmem>>
      %dma_start3A_425 = tpu.memref_squeeze %dma_start3A_424 : memref<1x4x8x128xf32, #tpu.memory_space<vmem>> -> memref<4x8x128xf32, #tpu.memory_space<vmem>>
      %dma_start3A_426 = arith.constant 0 : i32
      %dma_start3A_427 = arith.constant 0 : i32
      %dma_start3A_428 = tpu.memref_slice %arg5[%select_n3A_400, %dma_start3A_420, %mul3A_418, %dma_start3A_426, %dma_start3A_427] : memref<200x4x32x8x128xf32, #tpu.memory_space<hbm>> -> memref<1x1x4x8x128xf32, #tpu.memory_space<hbm>>
      %dma_start3A_429 = tpu.memref_squeeze %dma_start3A_428 : memref<1x1x4x8x128xf32, #tpu.memory_space<hbm>> -> memref<4x8x128xf32, #tpu.memory_space<hbm>>
      %dma_start3A_430 = arith.constant 0 : i32
      %dma_start3A_431 = arith.constant 0 : i32
      %dma_start3A_432 = tpu.memref_slice %arg5[%select_n3A_400, %dma_start3A_420, %mul3A_418, %dma_start3A_430, %dma_start3A_431] : memref<200x4x32x8x128xf32, #tpu.memory_space<hbm>> -> memref<1x1x4x8x128xf32, #tpu.memory_space<hbm>>
      %dma_start3A_433 = tpu.memref_squeeze %dma_start3A_432 : memref<1x1x4x8x128xf32, #tpu.memory_space<hbm>> -> memref<4x8x128xf32, #tpu.memory_space<hbm>>
      %dma_start3A_434 = arith.constant 0 : i32
      %dma_start3A_435 = arith.constant 0 : i32
      %dma_start3A_436 = arith.constant 0 : i32
      %dma_start3A_437 = tpu.memref_slice %arg10[%dma_start3A_419, %dma_start3A_434, %dma_start3A_435, %dma_start3A_436] : memref<4x4x8x129xf32, #tpu.memory_space<vmem>> -> memref<1x4x8x128xf32, #tpu.memory_space<vmem>>
      %dma_start3A_438 = tpu.memref_squeeze %dma_start3A_437 : memref<1x4x8x128xf32, #tpu.memory_space<vmem>> -> memref<4x8x128xf32, #tpu.memory_space<vmem>>
      tpu.enqueue_dma source(%dma_start3A_438 : memref<4x8x128xf32, #tpu.memory_space<vmem>>) target(%dma_start3A_433 : memref<4x8x128xf32, #tpu.memory_space<hbm>>) target_semaphore(%arg16 : memref<!tpu.dma_semaphore, #tpu.memory_space<semaphore_mem>>)
      %mul3A_439 = arith.constant 4 : i32
      %mul3A_440 = arith.muli %select_n3A_416, %mul3A_439 : i32
      %dma_start3A_441 = arith.constant 1 : i32
      %dma_start3A_442 = arith.constant 1 : i32
      %dma_start3A_443 = arith.constant 0 : i32
      %dma_start3A_444 = arith.constant 0 : i32
      %dma_start3A_445 = arith.constant 0 : i32
      %dma_start3A_446 = tpu.memref_slice %arg10[%dma_start3A_441, %dma_start3A_443, %dma_start3A_444, %dma_start3A_445] : memref<4x4x8x129xf32, #tpu.memory_space<vmem>> -> memref<1x4x8x128xf32, #tpu.memory_space<vmem>>
      %dma_start3A_447 = tpu.memref_squeeze %dma_start3A_446 : memref<1x4x8x128xf32, #tpu.memory_space<vmem>> -> memref<4x8x128xf32, #tpu.memory_space<vmem>>
      %dma_start3A_448 = arith.constant 0 : i32
      %dma_start3A_449 = arith.constant 0 : i32
      %dma_start3A_450 = tpu.memref_slice %arg5[%select_n3A_400, %dma_start3A_442, %mul3A_440, %dma_start3A_448, %dma_start3A_449] : memref<200x4x32x8x128xf32, #tpu.memory_space<hbm>> -> memref<1x1x4x8x128xf32, #tpu.memory_space<hbm>>
      %dma_start3A_451 = tpu.memref_squeeze %dma_start3A_450 : memref<1x1x4x8x128xf32, #tpu.memory_space<hbm>> -> memref<4x8x128xf32, #tpu.memory_space<hbm>>
      %dma_start3A_452 = arith.constant 0 : i32
      %dma_start3A_453 = arith.constant 0 : i32
      %dma_start3A_454 = tpu.memref_slice %arg5[%select_n3A_400, %dma_start3A_442, %mul3A_440, %dma_start3A_452, %dma_start3A_453] : memref<200x4x32x8x128xf32, #tpu.memory_space<hbm>> -> memref<1x1x4x8x128xf32, #tpu.memory_space<hbm>>
      %dma_start3A_455 = tpu.memref_squeeze %dma_start3A_454 : memref<1x1x4x8x128xf32, #tpu.memory_space<hbm>> -> memref<4x8x128xf32, #tpu.memory_space<hbm>>
      %dma_start3A_456 = arith.constant 0 : i32
      %dma_start3A_457 = arith.constant 0 : i32
      %dma_start3A_458 = arith.constant 0 : i32
      %dma_start3A_459 = tpu.memref_slice %arg10[%dma_start3A_441, %dma_start3A_456, %dma_start3A_457, %dma_start3A_458] : memref<4x4x8x129xf32, #tpu.memory_space<vmem>> -> memref<1x4x8x128xf32, #tpu.memory_space<vmem>>
      %dma_start3A_460 = tpu.memref_squeeze %dma_start3A_459 : memref<1x4x8x128xf32, #tpu.memory_space<vmem>> -> memref<4x8x128xf32, #tpu.memory_space<vmem>>
      tpu.enqueue_dma source(%dma_start3A_460 : memref<4x8x128xf32, #tpu.memory_space<vmem>>) target(%dma_start3A_455 : memref<4x8x128xf32, #tpu.memory_space<hbm>>) target_semaphore(%arg16 : memref<!tpu.dma_semaphore, #tpu.memory_space<semaphore_mem>>)
      %mul3A_461 = arith.constant 4 : i32
      %mul3A_462 = arith.muli %select_n3A_416, %mul3A_461 : i32
      %dma_start3A_463 = arith.constant 2 : i32
      %dma_start3A_464 = arith.constant 2 : i32
      %dma_start3A_465 = arith.constant 0 : i32
      %dma_start3A_466 = arith.constant 0 : i32
      %dma_start3A_467 = arith.constant 0 : i32
      %dma_start3A_468 = tpu.memref_slice %arg10[%dma_start3A_463, %dma_start3A_465, %dma_start3A_466, %dma_start3A_467] : memref<4x4x8x129xf32, #tpu.memory_space<vmem>> -> memref<1x4x8x128xf32, #tpu.memory_space<vmem>>
      %dma_start3A_469 = tpu.memref_squeeze %dma_start3A_468 : memref<1x4x8x128xf32, #tpu.memory_space<vmem>> -> memref<4x8x128xf32, #tpu.memory_space<vmem>>
      %dma_start3A_470 = arith.constant 0 : i32
      %dma_start3A_471 = arith.constant 0 : i32
      %dma_start3A_472 = tpu.memref_slice %arg5[%select_n3A_400, %dma_start3A_464, %mul3A_462, %dma_start3A_470, %dma_start3A_471] : memref<200x4x32x8x128xf32, #tpu.memory_space<hbm>> -> memref<1x1x4x8x128xf32, #tpu.memory_space<hbm>>
      %dma_start3A_473 = tpu.memref_squeeze %dma_start3A_472 : memref<1x1x4x8x128xf32, #tpu.memory_space<hbm>> -> memref<4x8x128xf32, #tpu.memory_space<hbm>>
      %dma_start3A_474 = arith.constant 0 : i32
      %dma_start3A_475 = arith.constant 0 : i32
      %dma_start3A_476 = tpu.memref_slice %arg5[%select_n3A_400, %dma_start3A_464, %mul3A_462, %dma_start3A_474, %dma_start3A_475] : memref<200x4x32x8x128xf32, #tpu.memory_space<hbm>> -> memref<1x1x4x8x128xf32, #tpu.memory_space<hbm>>
      %dma_start3A_477 = tpu.memref_squeeze %dma_start3A_476 : memref<1x1x4x8x128xf32, #tpu.memory_space<hbm>> -> memref<4x8x128xf32, #tpu.memory_space<hbm>>
      %dma_start3A_478 = arith.constant 0 : i32
      %dma_start3A_479 = arith.constant 0 : i32
      %dma_start3A_480 = arith.constant 0 : i32
      %dma_start3A_481 = tpu.memref_slice %arg10[%dma_start3A_463, %dma_start3A_478, %dma_start3A_479, %dma_start3A_480] : memref<4x4x8x129xf32, #tpu.memory_space<vmem>> -> memref<1x4x8x128xf32, #tpu.memory_space<vmem>>
      %dma_start3A_482 = tpu.memref_squeeze %dma_start3A_481 : memref<1x4x8x128xf32, #tpu.memory_space<vmem>> -> memref<4x8x128xf32, #tpu.memory_space<vmem>>
      tpu.enqueue_dma source(%dma_start3A_482 : memref<4x8x128xf32, #tpu.memory_space<vmem>>) target(%dma_start3A_477 : memref<4x8x128xf32, #tpu.memory_space<hbm>>) target_semaphore(%arg16 : memref<!tpu.dma_semaphore, #tpu.memory_space<semaphore_mem>>)
      %mul3A_483 = arith.constant 4 : i32
      %mul3A_484 = arith.muli %select_n3A_416, %mul3A_483 : i32
      %dma_start3A_485 = arith.constant 3 : i32
      %dma_start3A_486 = arith.constant 3 : i32
      %dma_start3A_487 = arith.constant 0 : i32
      %dma_start3A_488 = arith.constant 0 : i32
      %dma_start3A_489 = arith.constant 0 : i32
      %dma_start3A_490 = tpu.memref_slice %arg10[%dma_start3A_485, %dma_start3A_487, %dma_start3A_488, %dma_start3A_489] : memref<4x4x8x129xf32, #tpu.memory_space<vmem>> -> memref<1x4x8x128xf32, #tpu.memory_space<vmem>>
      %dma_start3A_491 = tpu.memref_squeeze %dma_start3A_490 : memref<1x4x8x128xf32, #tpu.memory_space<vmem>> -> memref<4x8x128xf32, #tpu.memory_space<vmem>>
      %dma_start3A_492 = arith.constant 0 : i32
      %dma_start3A_493 = arith.constant 0 : i32
      %dma_start3A_494 = tpu.memref_slice %arg5[%select_n3A_400, %dma_start3A_486, %mul3A_484, %dma_start3A_492, %dma_start3A_493] : memref<200x4x32x8x128xf32, #tpu.memory_space<hbm>> -> memref<1x1x4x8x128xf32, #tpu.memory_space<hbm>>
      %dma_start3A_495 = tpu.memref_squeeze %dma_start3A_494 : memref<1x1x4x8x128xf32, #tpu.memory_space<hbm>> -> memref<4x8x128xf32, #tpu.memory_space<hbm>>
      %dma_start3A_496 = arith.constant 0 : i32
      %dma_start3A_497 = arith.constant 0 : i32
      %dma_start3A_498 = tpu.memref_slice %arg5[%select_n3A_400, %dma_start3A_486, %mul3A_484, %dma_start3A_496, %dma_start3A_497] : memref<200x4x32x8x128xf32, #tpu.memory_space<hbm>> -> memref<1x1x4x8x128xf32, #tpu.memory_space<hbm>>
      %dma_start3A_499 = tpu.memref_squeeze %dma_start3A_498 : memref<1x1x4x8x128xf32, #tpu.memory_space<hbm>> -> memref<4x8x128xf32, #tpu.memory_space<hbm>>
      %dma_start3A_500 = arith.constant 0 : i32
      %dma_start3A_501 = arith.constant 0 : i32
      %dma_start3A_502 = arith.constant 0 : i32
      %dma_start3A_503 = tpu.memref_slice %arg10[%dma_start3A_485, %dma_start3A_500, %dma_start3A_501, %dma_start3A_502] : memref<4x4x8x129xf32, #tpu.memory_space<vmem>> -> memref<1x4x8x128xf32, #tpu.memory_space<vmem>>
      %dma_start3A_504 = tpu.memref_squeeze %dma_start3A_503 : memref<1x4x8x128xf32, #tpu.memory_space<vmem>> -> memref<4x8x128xf32, #tpu.memory_space<vmem>>
      tpu.enqueue_dma source(%dma_start3A_504 : memref<4x8x128xf32, #tpu.memory_space<vmem>>) target(%dma_start3A_499 : memref<4x8x128xf32, #tpu.memory_space<hbm>>) target_semaphore(%arg16 : memref<!tpu.dma_semaphore, #tpu.memory_space<semaphore_mem>>)
      %mul3A_505 = arith.constant 2 : i32
      %mul3A_506 = arith.muli %mul3A_505, %scan3A_334 : i32
      %add3A_507 = arith.addi %mul3A_2, %mul3A_506 : i32
      %add3A_508 = arith.constant 1 : i32
      %add3A_509 = arith.addi %add3A_507, %add3A_508 : i32
      %dma_wait3A_510 = arith.constant 0 : i32
      %dma_wait3A_511 = arith.constant 0 : i32
      %dma_wait3A_512 = tpu.memref_slice %arg2[%dma_wait3A_510, %dma_wait3A_511] : memref<1000000x32xf32, #tpu.memory_space<hbm>> -> memref<1000000x32xf32, #tpu.memory_space<hbm>>
      tpu.wait_indirect_dma semaphore(%arg15 : memref<!tpu.dma_semaphore, #tpu.memory_space<semaphore_mem>>) src(%dma_wait3A_512 : memref<1000000x32xf32, #tpu.memory_space<hbm>>) dst(%arg9 : memref<512x32xf32, #tpu.memory_space<vmem>>)
      %mul3A_513 = arith.constant 2 : i32
      %mul3A_514 = arith.muli %mul3A_513, %scan3A_334 : i32
      %add3A_515 = arith.constant 1 : i32
      %add3A_516 = arith.addi %mul3A_514, %add3A_515 : i32
      %add3A_517 = arith.constant 2 : i32
      %add3A_518 = arith.addi %add3A_516, %add3A_517 : i32
      %lt3A_519 = arith.constant 50 : i32
      %lt3A_520 = arith.cmpi slt, %add3A_518, %lt3A_519 : i32
      %convert_element_type3A_521 = arith.extui %lt3A_520 : i1 to i32
      %cond3A_522 = arith.constant 0 : i32
      %cond3A_523 = arith.cmpi ne, %convert_element_type3A_521, %cond3A_522 : i32
      scf.if %cond3A_523 {
        %add3A_678 = arith.constant 2 : i32
        %add3A_679 = arith.addi %add3A_509, %add3A_678 : i32
        %jit3A_680 = arith.constant 8 : i32
        %div3A_681 = arith.divsi %add3A_679, %jit3A_680 : i32
        %sign3A_682 = arith.constant 0 : i32
        %sign3A_683 = arith.cmpi sgt, %add3A_679, %sign3A_682 : i32
        %sign3A_684 = arith.extui %sign3A_683 : i1 to i32
        %sign3A_685 = arith.constant 0 : i32
        %sign3A_686 = arith.cmpi slt, %add3A_679, %sign3A_685 : i32
        %sign3A_687 = arith.extui %sign3A_686 : i1 to i32
        %sign3A_688 = arith.subi %sign3A_684, %sign3A_687 : i32
        %sign3A_689 = arith.constant 0 : i32
        %sign3A_690 = arith.cmpi sgt, %jit3A_680, %sign3A_689 : i32
        %sign3A_691 = arith.extui %sign3A_690 : i1 to i32
        %sign3A_692 = arith.constant 0 : i32
        %sign3A_693 = arith.cmpi slt, %jit3A_680, %sign3A_692 : i32
        %sign3A_694 = arith.extui %sign3A_693 : i1 to i32
        %sign3A_695 = arith.subi %sign3A_691, %sign3A_694 : i32
        %ne3A_696 = arith.cmpi ne, %sign3A_688, %sign3A_695 : i32
        %rem3A_697 = arith.remsi %add3A_679, %jit3A_680 : i32
        %ne3A_698 = arith.constant 0 : i32
        %ne3A_699 = arith.cmpi ne, %rem3A_697, %ne3A_698 : i32
        %and3A_700 = arith.andi %ne3A_696, %ne3A_699 : i1
        %sub3A_701 = arith.constant 1 : i32
        %sub3A_702 = arith.subi %div3A_681, %sub3A_701 : i32
        %select_n3A_703 = arith.select %and3A_700, %sub3A_702, %div3A_681 : i32
        %jit3A_704 = arith.constant 8 : i32
        %eq3A_705 = arith.constant 0 : i32
        %eq3A_706 = arith.cmpi eq, %jit3A_704, %eq3A_705 : i32
        %jit3A_707 = arith.constant 1 : i32
        %select_n3A_708 = arith.select %eq3A_706, %jit3A_707, %jit3A_704 : i32
        %rem3A_709 = arith.remsi %add3A_679, %select_n3A_708 : i32
        %ne3A_710 = arith.constant 0 : i32
        %ne3A_711 = arith.cmpi ne, %rem3A_709, %ne3A_710 : i32
        %lt3A_712 = arith.constant 0 : i32
        %lt3A_713 = arith.cmpi slt, %rem3A_709, %lt3A_712 : i32
        %lt3A_714 = arith.constant 0 : i32
        %lt3A_715 = arith.cmpi slt, %select_n3A_708, %lt3A_714 : i32
        %ne3A_716 = arith.xori %lt3A_713, %lt3A_715 : i1
        %and3A_717 = arith.andi %ne3A_716, %ne3A_711 : i1
        %add3A_718 = arith.addi %rem3A_709, %select_n3A_708 : i32
        %select_n3A_719 = arith.select %and3A_717, %add3A_718, %rem3A_709 : i32
        %mul3A_720 = arith.constant 512 : i32
        %mul3A_721 = arith.muli %select_n3A_719, %mul3A_720 : i32
        %dma_start3A_722 = tpu.memref_slice %arg4[%select_n3A_703, %mul3A_721] : memref<200x4096xi32, #tpu.memory_space<hbm>> -> memref<1x512xi32, #tpu.memory_space<hbm>>
        %dma_start3A_723 = tpu.memref_squeeze %dma_start3A_722 : memref<1x512xi32, #tpu.memory_space<hbm>> -> memref<512xi32, #tpu.memory_space<hbm>>
        %dma_start3A_724 = tpu.memref_slice %arg4[%select_n3A_703, %mul3A_721] : memref<200x4096xi32, #tpu.memory_space<hbm>> -> memref<1x512xi32, #tpu.memory_space<hbm>>
        %dma_start3A_725 = tpu.memref_squeeze %dma_start3A_724 : memref<1x512xi32, #tpu.memory_space<hbm>> -> memref<512xi32, #tpu.memory_space<hbm>>
        tpu.enqueue_dma source(%dma_start3A_725 : memref<512xi32, #tpu.memory_space<hbm>>) target(%arg7 : memref<512xi32, #tpu.memory_space<vmem>>) target_semaphore(%arg13 : memref<!tpu.dma_semaphore, #tpu.memory_space<semaphore_mem>>)
      } else {
      }
      %mul3A_524 = arith.constant 2 : i32
      %mul3A_525 = arith.muli %mul3A_524, %scan3A_334 : i32
      %add3A_526 = arith.constant 1 : i32
      %add3A_527 = arith.addi %mul3A_525, %add3A_526 : i32
      %add3A_528 = arith.constant 1 : i32
      %add3A_529 = arith.addi %add3A_527, %add3A_528 : i32
      %lt3A_530 = arith.constant 50 : i32
      %lt3A_531 = arith.cmpi slt, %add3A_529, %lt3A_530 : i32
      %convert_element_type3A_532 = arith.extui %lt3A_531 : i1 to i32
      %cond3A_533 = arith.constant 0 : i32
      %cond3A_534 = arith.cmpi ne, %convert_element_type3A_532, %cond3A_533 : i32
      scf.if %cond3A_534 {
        %dma_wait3A_678 = arith.constant 0 : i32
        %dma_wait3A_679 = arith.constant 0 : i32
        %dma_wait3A_680 = tpu.memref_slice %arg4[%dma_wait3A_678, %dma_wait3A_679] : memref<200x4096xi32, #tpu.memory_space<hbm>> -> memref<1x512xi32, #tpu.memory_space<hbm>>
        %dma_wait3A_681 = tpu.memref_squeeze %dma_wait3A_680 : memref<1x512xi32, #tpu.memory_space<hbm>> -> memref<512xi32, #tpu.memory_space<hbm>>
        %dma_wait3A_682 = arith.constant 0 : i32
        %dma_wait3A_683 = tpu.memref_slice %arg4[%dma_wait3A_678, %dma_wait3A_682] : memref<200x4096xi32, #tpu.memory_space<hbm>> -> memref<1x512xi32, #tpu.memory_space<hbm>>
        %dma_wait3A_684 = tpu.memref_squeeze %dma_wait3A_683 : memref<1x512xi32, #tpu.memory_space<hbm>> -> memref<512xi32, #tpu.memory_space<hbm>>
        tpu.wait_dma2 semaphore(%arg12 : memref<!tpu.dma_semaphore, #tpu.memory_space<semaphore_mem>>) src(%dma_wait3A_684 : memref<512xi32, #tpu.memory_space<hbm>>) dst(%arg6 : memref<512xi32, #tpu.memory_space<vmem>>)
        %dma_start3A_685 = arith.constant 0 : i32
        %dma_start3A_686 = arith.constant 0 : i32
        %dma_start3A_687 = tpu.memref_slice %arg2[%dma_start3A_685, %dma_start3A_686] : memref<1000000x32xf32, #tpu.memory_space<hbm>> -> memref<1000000x32xf32, #tpu.memory_space<hbm>>
        tpu.enqueue_indirect_dma source(%dma_start3A_687 : memref<1000000x32xf32, #tpu.memory_space<hbm>>) target(%arg8 : memref<512x32xf32, #tpu.memory_space<vmem>>) offsets(%arg6 : memref<512xi32, #tpu.memory_space<vmem>>) semaphore(%arg14 : memref<!tpu.dma_semaphore, #tpu.memory_space<semaphore_mem>>)
      } else {
      }
      %mul3A_535 = arith.constant 2 : i32
      %mul3A_536 = arith.muli %mul3A_535, %scan3A_334 : i32
      %add3A_537 = arith.constant 1 : i32
      %add3A_538 = arith.addi %mul3A_536, %add3A_537 : i32
      %ge3A_539 = arith.constant 2 : i32
      %ge3A_540 = arith.cmpi sge, %add3A_538, %ge3A_539 : i32
      %convert_element_type3A_541 = arith.extui %ge3A_540 : i1 to i32
      %cond3A_542 = arith.constant 0 : i32
      %cond3A_543 = arith.cmpi ne, %convert_element_type3A_541, %cond3A_542 : i32
      scf.if %cond3A_543 {
        %dma_wait3A_678 = arith.constant 0 : i32
        %dma_wait3A_679 = arith.constant 0 : i32
        %dma_wait3A_680 = arith.constant 0 : i32
        %dma_wait3A_681 = arith.constant 0 : i32
        %dma_wait3A_682 = arith.constant 0 : i32
        %dma_wait3A_683 = arith.constant 0 : i32
        %dma_wait3A_684 = tpu.memref_slice %arg11[%dma_wait3A_678, %dma_wait3A_681, %dma_wait3A_682, %dma_wait3A_683] : memref<4x4x8x129xf32, #tpu.memory_space<vmem>> -> memref<1x4x8x128xf32, #tpu.memory_space<vmem>>
        %dma_wait3A_685 = tpu.memref_squeeze %dma_wait3A_684 : memref<1x4x8x128xf32, #tpu.memory_space<vmem>> -> memref<4x8x128xf32, #tpu.memory_space<vmem>>
        %dma_wait3A_686 = arith.constant 0 : i32
        %dma_wait3A_687 = arith.constant 0 : i32
        %dma_wait3A_688 = arith.constant 0 : i32
        %dma_wait3A_689 = tpu.memref_slice %arg5[%dma_wait3A_679, %dma_wait3A_680, %dma_wait3A_686, %dma_wait3A_687, %dma_wait3A_688] : memref<200x4x32x8x128xf32, #tpu.memory_space<hbm>> -> memref<1x1x4x8x128xf32, #tpu.memory_space<hbm>>
        %dma_wait3A_690 = tpu.memref_squeeze %dma_wait3A_689 : memref<1x1x4x8x128xf32, #tpu.memory_space<hbm>> -> memref<4x8x128xf32, #tpu.memory_space<hbm>>
        %dma_wait3A_691 = arith.constant 0 : i32
        %dma_wait3A_692 = arith.constant 0 : i32
        %dma_wait3A_693 = arith.constant 0 : i32
        %dma_wait3A_694 = tpu.memref_slice %arg5[%dma_wait3A_679, %dma_wait3A_680, %dma_wait3A_691, %dma_wait3A_692, %dma_wait3A_693] : memref<200x4x32x8x128xf32, #tpu.memory_space<hbm>> -> memref<1x1x4x8x128xf32, #tpu.memory_space<hbm>>
        %dma_wait3A_695 = tpu.memref_squeeze %dma_wait3A_694 : memref<1x1x4x8x128xf32, #tpu.memory_space<hbm>> -> memref<4x8x128xf32, #tpu.memory_space<hbm>>
        %dma_wait3A_696 = arith.constant 0 : i32
        %dma_wait3A_697 = arith.constant 0 : i32
        %dma_wait3A_698 = arith.constant 0 : i32
        %dma_wait3A_699 = tpu.memref_slice %arg11[%dma_wait3A_678, %dma_wait3A_696, %dma_wait3A_697, %dma_wait3A_698] : memref<4x4x8x129xf32, #tpu.memory_space<vmem>> -> memref<1x4x8x128xf32, #tpu.memory_space<vmem>>
        %dma_wait3A_700 = tpu.memref_squeeze %dma_wait3A_699 : memref<1x4x8x128xf32, #tpu.memory_space<vmem>> -> memref<4x8x128xf32, #tpu.memory_space<vmem>>
        tpu.wait_dma2 semaphore(%arg17 : memref<!tpu.dma_semaphore, #tpu.memory_space<semaphore_mem>>) src(%dma_wait3A_700 : memref<4x8x128xf32, #tpu.memory_space<vmem>>) dst(%dma_wait3A_695 : memref<4x8x128xf32, #tpu.memory_space<hbm>>)
        %dma_wait3A_701 = arith.constant 0 : i32
        %dma_wait3A_702 = arith.constant 0 : i32
        %dma_wait3A_703 = arith.constant 0 : i32
        %dma_wait3A_704 = arith.constant 0 : i32
        %dma_wait3A_705 = arith.constant 0 : i32
        %dma_wait3A_706 = arith.constant 0 : i32
        %dma_wait3A_707 = tpu.memref_slice %arg11[%dma_wait3A_701, %dma_wait3A_704, %dma_wait3A_705, %dma_wait3A_706] : memref<4x4x8x129xf32, #tpu.memory_space<vmem>> -> memref<1x4x8x128xf32, #tpu.memory_space<vmem>>
        %dma_wait3A_708 = tpu.memref_squeeze %dma_wait3A_707 : memref<1x4x8x128xf32, #tpu.memory_space<vmem>> -> memref<4x8x128xf32, #tpu.memory_space<vmem>>
        %dma_wait3A_709 = arith.constant 0 : i32
        %dma_wait3A_710 = arith.constant 0 : i32
        %dma_wait3A_711 = arith.constant 0 : i32
        %dma_wait3A_712 = tpu.memref_slice %arg5[%dma_wait3A_702, %dma_wait3A_703, %dma_wait3A_709, %dma_wait3A_710, %dma_wait3A_711] : memref<200x4x32x8x128xf32, #tpu.memory_space<hbm>> -> memref<1x1x4x8x128xf32, #tpu.memory_space<hbm>>
        %dma_wait3A_713 = tpu.memref_squeeze %dma_wait3A_712 : memref<1x1x4x8x128xf32, #tpu.memory_space<hbm>> -> memref<4x8x128xf32, #tpu.memory_space<hbm>>
        %dma_wait3A_714 = arith.constant 0 : i32
        %dma_wait3A_715 = arith.constant 0 : i32
        %dma_wait3A_716 = arith.constant 0 : i32
        %dma_wait3A_717 = tpu.memref_slice %arg5[%dma_wait3A_702, %dma_wait3A_703, %dma_wait3A_714, %dma_wait3A_715, %dma_wait3A_716] : memref<200x4x32x8x128xf32, #tpu.memory_space<hbm>> -> memref<1x1x4x8x128xf32, #tpu.memory_space<hbm>>
        %dma_wait3A_718 = tpu.memref_squeeze %dma_wait3A_717 : memref<1x1x4x8x128xf32, #tpu.memory_space<hbm>> -> memref<4x8x128xf32, #tpu.memory_space<hbm>>
        %dma_wait3A_719 = arith.constant 0 : i32
        %dma_wait3A_720 = arith.constant 0 : i32
        %dma_wait3A_721 = arith.constant 0 : i32
        %dma_wait3A_722 = tpu.memref_slice %arg11[%dma_wait3A_701, %dma_wait3A_719, %dma_wait3A_720, %dma_wait3A_721] : memref<4x4x8x129xf32, #tpu.memory_space<vmem>> -> memref<1x4x8x128xf32, #tpu.memory_space<vmem>>
        %dma_wait3A_723 = tpu.memref_squeeze %dma_wait3A_722 : memref<1x4x8x128xf32, #tpu.memory_space<vmem>> -> memref<4x8x128xf32, #tpu.memory_space<vmem>>
        tpu.wait_dma2 semaphore(%arg17 : memref<!tpu.dma_semaphore, #tpu.memory_space<semaphore_mem>>) src(%dma_wait3A_723 : memref<4x8x128xf32, #tpu.memory_space<vmem>>) dst(%dma_wait3A_718 : memref<4x8x128xf32, #tpu.memory_space<hbm>>)
        %dma_wait3A_724 = arith.constant 0 : i32
        %dma_wait3A_725 = arith.constant 0 : i32
        %dma_wait3A_726 = arith.constant 0 : i32
        %dma_wait3A_727 = arith.constant 0 : i32
        %dma_wait3A_728 = arith.constant 0 : i32
        %dma_wait3A_729 = arith.constant 0 : i32
        %dma_wait3A_730 = tpu.memref_slice %arg11[%dma_wait3A_724, %dma_wait3A_727, %dma_wait3A_728, %dma_wait3A_729] : memref<4x4x8x129xf32, #tpu.memory_space<vmem>> -> memref<1x4x8x128xf32, #tpu.memory_space<vmem>>
        %dma_wait3A_731 = tpu.memref_squeeze %dma_wait3A_730 : memref<1x4x8x128xf32, #tpu.memory_space<vmem>> -> memref<4x8x128xf32, #tpu.memory_space<vmem>>
        %dma_wait3A_732 = arith.constant 0 : i32
        %dma_wait3A_733 = arith.constant 0 : i32
        %dma_wait3A_734 = arith.constant 0 : i32
        %dma_wait3A_735 = tpu.memref_slice %arg5[%dma_wait3A_725, %dma_wait3A_726, %dma_wait3A_732, %dma_wait3A_733, %dma_wait3A_734] : memref<200x4x32x8x128xf32, #tpu.memory_space<hbm>> -> memref<1x1x4x8x128xf32, #tpu.memory_space<hbm>>
        %dma_wait3A_736 = tpu.memref_squeeze %dma_wait3A_735 : memref<1x1x4x8x128xf32, #tpu.memory_space<hbm>> -> memref<4x8x128xf32, #tpu.memory_space<hbm>>
        %dma_wait3A_737 = arith.constant 0 : i32
        %dma_wait3A_738 = arith.constant 0 : i32
        %dma_wait3A_739 = arith.constant 0 : i32
        %dma_wait3A_740 = tpu.memref_slice %arg5[%dma_wait3A_725, %dma_wait3A_726, %dma_wait3A_737, %dma_wait3A_738, %dma_wait3A_739] : memref<200x4x32x8x128xf32, #tpu.memory_space<hbm>> -> memref<1x1x4x8x128xf32, #tpu.memory_space<hbm>>
        %dma_wait3A_741 = tpu.memref_squeeze %dma_wait3A_740 : memref<1x1x4x8x128xf32, #tpu.memory_space<hbm>> -> memref<4x8x128xf32, #tpu.memory_space<hbm>>
        %dma_wait3A_742 = arith.constant 0 : i32
        %dma_wait3A_743 = arith.constant 0 : i32
        %dma_wait3A_744 = arith.constant 0 : i32
        %dma_wait3A_745 = tpu.memref_slice %arg11[%dma_wait3A_724, %dma_wait3A_742, %dma_wait3A_743, %dma_wait3A_744] : memref<4x4x8x129xf32, #tpu.memory_space<vmem>> -> memref<1x4x8x128xf32, #tpu.memory_space<vmem>>
        %dma_wait3A_746 = tpu.memref_squeeze %dma_wait3A_745 : memref<1x4x8x128xf32, #tpu.memory_space<vmem>> -> memref<4x8x128xf32, #tpu.memory_space<vmem>>
        tpu.wait_dma2 semaphore(%arg17 : memref<!tpu.dma_semaphore, #tpu.memory_space<semaphore_mem>>) src(%dma_wait3A_746 : memref<4x8x128xf32, #tpu.memory_space<vmem>>) dst(%dma_wait3A_741 : memref<4x8x128xf32, #tpu.memory_space<hbm>>)
        %dma_wait3A_747 = arith.constant 0 : i32
        %dma_wait3A_748 = arith.constant 0 : i32
        %dma_wait3A_749 = arith.constant 0 : i32
        %dma_wait3A_750 = arith.constant 0 : i32
        %dma_wait3A_751 = arith.constant 0 : i32
        %dma_wait3A_752 = arith.constant 0 : i32
        %dma_wait3A_753 = tpu.memref_slice %arg11[%dma_wait3A_747, %dma_wait3A_750, %dma_wait3A_751, %dma_wait3A_752] : memref<4x4x8x129xf32, #tpu.memory_space<vmem>> -> memref<1x4x8x128xf32, #tpu.memory_space<vmem>>
        %dma_wait3A_754 = tpu.memref_squeeze %dma_wait3A_753 : memref<1x4x8x128xf32, #tpu.memory_space<vmem>> -> memref<4x8x128xf32, #tpu.memory_space<vmem>>
        %dma_wait3A_755 = arith.constant 0 : i32
        %dma_wait3A_756 = arith.constant 0 : i32
        %dma_wait3A_757 = arith.constant 0 : i32
        %dma_wait3A_758 = tpu.memref_slice %arg5[%dma_wait3A_748, %dma_wait3A_749, %dma_wait3A_755, %dma_wait3A_756, %dma_wait3A_757] : memref<200x4x32x8x128xf32, #tpu.memory_space<hbm>> -> memref<1x1x4x8x128xf32, #tpu.memory_space<hbm>>
        %dma_wait3A_759 = tpu.memref_squeeze %dma_wait3A_758 : memref<1x1x4x8x128xf32, #tpu.memory_space<hbm>> -> memref<4x8x128xf32, #tpu.memory_space<hbm>>
        %dma_wait3A_760 = arith.constant 0 : i32
        %dma_wait3A_761 = arith.constant 0 : i32
        %dma_wait3A_762 = arith.constant 0 : i32
        %dma_wait3A_763 = tpu.memref_slice %arg5[%dma_wait3A_748, %dma_wait3A_749, %dma_wait3A_760, %dma_wait3A_761, %dma_wait3A_762] : memref<200x4x32x8x128xf32, #tpu.memory_space<hbm>> -> memref<1x1x4x8x128xf32, #tpu.memory_space<hbm>>
        %dma_wait3A_764 = tpu.memref_squeeze %dma_wait3A_763 : memref<1x1x4x8x128xf32, #tpu.memory_space<hbm>> -> memref<4x8x128xf32, #tpu.memory_space<hbm>>
        %dma_wait3A_765 = arith.constant 0 : i32
        %dma_wait3A_766 = arith.constant 0 : i32
        %dma_wait3A_767 = arith.constant 0 : i32
        %dma_wait3A_768 = tpu.memref_slice %arg11[%dma_wait3A_747, %dma_wait3A_765, %dma_wait3A_766, %dma_wait3A_767] : memref<4x4x8x129xf32, #tpu.memory_space<vmem>> -> memref<1x4x8x128xf32, #tpu.memory_space<vmem>>
        %dma_wait3A_769 = tpu.memref_squeeze %dma_wait3A_768 : memref<1x4x8x128xf32, #tpu.memory_space<vmem>> -> memref<4x8x128xf32, #tpu.memory_space<vmem>>
        tpu.wait_dma2 semaphore(%arg17 : memref<!tpu.dma_semaphore, #tpu.memory_space<semaphore_mem>>) src(%dma_wait3A_769 : memref<4x8x128xf32, #tpu.memory_space<vmem>>) dst(%dma_wait3A_764 : memref<4x8x128xf32, #tpu.memory_space<hbm>>)
      } else {
      }
      %scan3A_544 = arith.constant 0 : i32
      %scan3A_545 = arith.constant 0 : i32
      %scan3A_546 = arith.constant 64 : i32
      %scan3A_547 = arith.addi %scan3A_545, %scan3A_546 : i32
      %scan3A_548 = arith.constant 1 : i32
      scf.for %scan3A_678 = %scan3A_545 to %scan3A_547 step %scan3A_548  : i32 {
        %jit3A_679 = arith.constant 16 : i32
        %div3A_680 = arith.divsi %scan3A_678, %jit3A_679 : i32
        %sign3A_681 = arith.constant 0 : i32
        %sign3A_682 = arith.cmpi sgt, %scan3A_678, %sign3A_681 : i32
        %sign3A_683 = arith.extui %sign3A_682 : i1 to i32
        %sign3A_684 = arith.constant 0 : i32
        %sign3A_685 = arith.cmpi slt, %scan3A_678, %sign3A_684 : i32
        %sign3A_686 = arith.extui %sign3A_685 : i1 to i32
        %sign3A_687 = arith.subi %sign3A_683, %sign3A_686 : i32
        %sign3A_688 = arith.constant 0 : i32
        %sign3A_689 = arith.cmpi sgt, %jit3A_679, %sign3A_688 : i32
        %sign3A_690 = arith.extui %sign3A_689 : i1 to i32
        %sign3A_691 = arith.constant 0 : i32
        %sign3A_692 = arith.cmpi slt, %jit3A_679, %sign3A_691 : i32
        %sign3A_693 = arith.extui %sign3A_692 : i1 to i32
        %sign3A_694 = arith.subi %sign3A_690, %sign3A_693 : i32
        %ne3A_695 = arith.cmpi ne, %sign3A_687, %sign3A_694 : i32
        %rem3A_696 = arith.remsi %scan3A_678, %jit3A_679 : i32
        %ne3A_697 = arith.constant 0 : i32
        %ne3A_698 = arith.cmpi ne, %rem3A_696, %ne3A_697 : i32
        %and3A_699 = arith.andi %ne3A_695, %ne3A_698 : i1
        %sub3A_700 = arith.constant 1 : i32
        %sub3A_701 = arith.subi %div3A_680, %sub3A_700 : i32
        %select_n3A_702 = arith.select %and3A_699, %sub3A_701, %div3A_680 : i32
        %broadcast_in_dim3A = vector.broadcast %select_n3A_702 : i32 to vector<16xi32>
        %jit3A_703 = arith.constant 16 : i32
        %eq3A_704 = arith.constant 0 : i32
        %eq3A_705 = arith.cmpi eq, %jit3A_703, %eq3A_704 : i32
        %jit3A_706 = arith.constant 1 : i32
        %select_n3A_707 = arith.select %eq3A_705, %jit3A_706, %jit3A_703 : i32
        %rem3A_708 = arith.remsi %scan3A_678, %select_n3A_707 : i32
        %ne3A_709 = arith.constant 0 : i32
        %ne3A_710 = arith.cmpi ne, %rem3A_708, %ne3A_709 : i32
        %lt3A_711 = arith.constant 0 : i32
        %lt3A_712 = arith.cmpi slt, %rem3A_708, %lt3A_711 : i32
        %lt3A_713 = arith.constant 0 : i32
        %lt3A_714 = arith.cmpi slt, %select_n3A_707, %lt3A_713 : i32
        %ne3A_715 = arith.xori %lt3A_712, %lt3A_714 : i1
        %and3A_716 = arith.andi %ne3A_715, %ne3A_710 : i1
        %add3A_717 = arith.addi %rem3A_708, %select_n3A_707 : i32
        %select_n3A_718 = arith.select %and3A_716, %add3A_717, %rem3A_708 : i32
        %mul3A_719 = arith.constant 8 : i32
        %mul3A_720 = arith.muli %select_n3A_718, %mul3A_719 : i32
        %mul3A_721 = arith.constant 8 : i32
        %mul3A_722 = arith.muli %scan3A_678, %mul3A_721 : i32
        %add3A_723 = arith.constant 0 : i32
        %add3A_724 = arith.addi %mul3A_722, %add3A_723 : i32
        %add3A_725 = arith.constant 0 : i32
        %add3A_726 = arith.addi %mul3A_720, %add3A_725 : i32
        %broadcast_in_dim3A_727 = vector.broadcast %add3A_726 : i32 to vector<16xi32>
        %get3A = arith.index_cast %add3A_724 : i32 to index
        %get3A_728 = arith.constant 0 : index
        %get3A_729 = tpu.vector_load %arg9[%get3A, %get3A_728] {strides = array<i32>} : memref<512x32xf32, #tpu.memory_space<vmem>>, vector<16xf32>,
        %get3A_730 = arith.index_cast %add3A_724 : i32 to index
        %get3A_731 = arith.constant 16 : index
        %get3A_732 = tpu.vector_load %arg9[%get3A_730, %get3A_731] {strides = array<i32>} : memref<512x32xf32, #tpu.memory_space<vmem>>, vector<16xf32>,
        %mul3A_733 = arith.constant 8 : i32
        %mul3A_734 = arith.muli %scan3A_678, %mul3A_733 : i32
        %add3A_735 = arith.constant 1 : i32
        %add3A_736 = arith.addi %mul3A_734, %add3A_735 : i32
        %add3A_737 = arith.constant 1 : i32
        %add3A_738 = arith.addi %mul3A_720, %add3A_737 : i32
        %broadcast_in_dim3A_739 = vector.broadcast %add3A_738 : i32 to vector<16xi32>
        %get3A_740 = arith.index_cast %add3A_736 : i32 to index
        %get3A_741 = arith.constant 0 : index
        %get3A_742 = tpu.vector_load %arg9[%get3A_740, %get3A_741] {strides = array<i32>} : memref<512x32xf32, #tpu.memory_space<vmem>>, vector<16xf32>,
        %get3A_743 = arith.index_cast %add3A_736 : i32 to index
        %get3A_744 = arith.constant 16 : index
        %get3A_745 = tpu.vector_load %arg9[%get3A_743, %get3A_744] {strides = array<i32>} : memref<512x32xf32, #tpu.memory_space<vmem>>, vector<16xf32>,
        %mul3A_746 = arith.constant 8 : i32
        %mul3A_747 = arith.muli %scan3A_678, %mul3A_746 : i32
        %add3A_748 = arith.constant 2 : i32
        %add3A_749 = arith.addi %mul3A_747, %add3A_748 : i32
        %add3A_750 = arith.constant 2 : i32
        %add3A_751 = arith.addi %mul3A_720, %add3A_750 : i32
        %broadcast_in_dim3A_752 = vector.broadcast %add3A_751 : i32 to vector<16xi32>
        %get3A_753 = arith.index_cast %add3A_749 : i32 to index
        %get3A_754 = arith.constant 0 : index
        %get3A_755 = tpu.vector_load %arg9[%get3A_753, %get3A_754] {strides = array<i32>} : memref<512x32xf32, #tpu.memory_space<vmem>>, vector<16xf32>,
        %get3A_756 = arith.index_cast %add3A_749 : i32 to index
        %get3A_757 = arith.constant 16 : index
        %get3A_758 = tpu.vector_load %arg9[%get3A_756, %get3A_757] {strides = array<i32>} : memref<512x32xf32, #tpu.memory_space<vmem>>, vector<16xf32>,
        %mul3A_759 = arith.constant 8 : i32
        %mul3A_760 = arith.muli %scan3A_678, %mul3A_759 : i32
        %add3A_761 = arith.constant 3 : i32
        %add3A_762 = arith.addi %mul3A_760, %add3A_761 : i32
        %add3A_763 = arith.constant 3 : i32
        %add3A_764 = arith.addi %mul3A_720, %add3A_763 : i32
        %broadcast_in_dim3A_765 = vector.broadcast %add3A_764 : i32 to vector<16xi32>
        %get3A_766 = arith.index_cast %add3A_762 : i32 to index
        %get3A_767 = arith.constant 0 : index
        %get3A_768 = tpu.vector_load %arg9[%get3A_766, %get3A_767] {strides = array<i32>} : memref<512x32xf32, #tpu.memory_space<vmem>>, vector<16xf32>,
        %get3A_769 = arith.index_cast %add3A_762 : i32 to index
        %get3A_770 = arith.constant 16 : index
        %get3A_771 = tpu.vector_load %arg9[%get3A_769, %get3A_770] {strides = array<i32>} : memref<512x32xf32, #tpu.memory_space<vmem>>, vector<16xf32>,
        %mul3A_772 = arith.constant 8 : i32
        %mul3A_773 = arith.muli %scan3A_678, %mul3A_772 : i32
        %add3A_774 = arith.constant 4 : i32
        %add3A_775 = arith.addi %mul3A_773, %add3A_774 : i32
        %add3A_776 = arith.constant 4 : i32
        %add3A_777 = arith.addi %mul3A_720, %add3A_776 : i32
        %broadcast_in_dim3A_778 = vector.broadcast %add3A_777 : i32 to vector<16xi32>
        %get3A_779 = arith.index_cast %add3A_775 : i32 to index
        %get3A_780 = arith.constant 0 : index
        %get3A_781 = tpu.vector_load %arg9[%get3A_779, %get3A_780] {strides = array<i32>} : memref<512x32xf32, #tpu.memory_space<vmem>>, vector<16xf32>,
        %get3A_782 = arith.index_cast %add3A_775 : i32 to index
        %get3A_783 = arith.constant 16 : index
        %get3A_784 = tpu.vector_load %arg9[%get3A_782, %get3A_783] {strides = array<i32>} : memref<512x32xf32, #tpu.memory_space<vmem>>, vector<16xf32>,
        %mul3A_785 = arith.constant 8 : i32
        %mul3A_786 = arith.muli %scan3A_678, %mul3A_785 : i32
        %add3A_787 = arith.constant 5 : i32
        %add3A_788 = arith.addi %mul3A_786, %add3A_787 : i32
        %add3A_789 = arith.constant 5 : i32
        %add3A_790 = arith.addi %mul3A_720, %add3A_789 : i32
        %broadcast_in_dim3A_791 = vector.broadcast %add3A_790 : i32 to vector<16xi32>
        %get3A_792 = arith.index_cast %add3A_788 : i32 to index
        %get3A_793 = arith.constant 0 : index
        %get3A_794 = tpu.vector_load %arg9[%get3A_792, %get3A_793] {strides = array<i32>} : memref<512x32xf32, #tpu.memory_space<vmem>>, vector<16xf32>,
        %get3A_795 = arith.index_cast %add3A_788 : i32 to index
        %get3A_796 = arith.constant 16 : index
        %get3A_797 = tpu.vector_load %arg9[%get3A_795, %get3A_796] {strides = array<i32>} : memref<512x32xf32, #tpu.memory_space<vmem>>, vector<16xf32>,
        %mul3A_798 = arith.constant 8 : i32
        %mul3A_799 = arith.muli %scan3A_678, %mul3A_798 : i32
        %add3A_800 = arith.constant 6 : i32
        %add3A_801 = arith.addi %mul3A_799, %add3A_800 : i32
        %add3A_802 = arith.constant 6 : i32
        %add3A_803 = arith.addi %mul3A_720, %add3A_802 : i32
        %broadcast_in_dim3A_804 = vector.broadcast %add3A_803 : i32 to vector<16xi32>
        %get3A_805 = arith.index_cast %add3A_801 : i32 to index
        %get3A_806 = arith.constant 0 : index
        %get3A_807 = tpu.vector_load %arg9[%get3A_805, %get3A_806] {strides = array<i32>} : memref<512x32xf32, #tpu.memory_space<vmem>>, vector<16xf32>,
        %get3A_808 = arith.index_cast %add3A_801 : i32 to index
        %get3A_809 = arith.constant 16 : index
        %get3A_810 = tpu.vector_load %arg9[%get3A_808, %get3A_809] {strides = array<i32>} : memref<512x32xf32, #tpu.memory_space<vmem>>, vector<16xf32>,
        %mul3A_811 = arith.constant 8 : i32
        %mul3A_812 = arith.muli %scan3A_678, %mul3A_811 : i32
        %add3A_813 = arith.constant 7 : i32
        %add3A_814 = arith.addi %mul3A_812, %add3A_813 : i32
        %add3A_815 = arith.constant 7 : i32
        %add3A_816 = arith.addi %mul3A_720, %add3A_815 : i32
        %broadcast_in_dim3A_817 = vector.broadcast %add3A_816 : i32 to vector<16xi32>
        %get3A_818 = arith.index_cast %add3A_814 : i32 to index
        %get3A_819 = arith.constant 0 : index
        %get3A_820 = tpu.vector_load %arg9[%get3A_818, %get3A_819] {strides = array<i32>} : memref<512x32xf32, #tpu.memory_space<vmem>>, vector<16xf32>,
        %get3A_821 = arith.index_cast %add3A_814 : i32 to index
        %get3A_822 = arith.constant 16 : index
        %get3A_823 = tpu.vector_load %arg9[%get3A_821, %get3A_822] {strides = array<i32>} : memref<512x32xf32, #tpu.memory_space<vmem>>, vector<16xf32>,
        tpu.vector_store_idx %arg11[%select_n3A, %broadcast_in_dim3A, %select_n3A_45, %broadcast_in_dim3A_727], %get3A_729 : memref<4x4x8x129xf32, #tpu.memory_space<vmem>>[vector<16xi32>, vector<16xi32>, vector<16xi32>, vector<16xi32>], vector<16xf32>,
        %add3A_824 = arith.constant 2 : i32
        %add3A_825 = vector.broadcast %add3A_824 : i32 to vector<16xi32>
        %add3A_826 = arith.addi %select_n3A, %add3A_825 : vector<16xi32>
        tpu.vector_store_idx %arg11[%add3A_826, %broadcast_in_dim3A, %select_n3A_45, %broadcast_in_dim3A_727], %get3A_732 : memref<4x4x8x129xf32, #tpu.memory_space<vmem>>[vector<16xi32>, vector<16xi32>, vector<16xi32>, vector<16xi32>], vector<16xf32>,
        tpu.vector_store_idx %arg11[%select_n3A, %broadcast_in_dim3A, %select_n3A_45, %broadcast_in_dim3A_739], %get3A_742 : memref<4x4x8x129xf32, #tpu.memory_space<vmem>>[vector<16xi32>, vector<16xi32>, vector<16xi32>, vector<16xi32>], vector<16xf32>,
        %add3A_827 = arith.constant 2 : i32
        %add3A_828 = vector.broadcast %add3A_827 : i32 to vector<16xi32>
        %add3A_829 = arith.addi %select_n3A, %add3A_828 : vector<16xi32>
        tpu.vector_store_idx %arg11[%add3A_829, %broadcast_in_dim3A, %select_n3A_45, %broadcast_in_dim3A_739], %get3A_745 : memref<4x4x8x129xf32, #tpu.memory_space<vmem>>[vector<16xi32>, vector<16xi32>, vector<16xi32>, vector<16xi32>], vector<16xf32>,
        tpu.vector_store_idx %arg11[%select_n3A, %broadcast_in_dim3A, %select_n3A_45, %broadcast_in_dim3A_752], %get3A_755 : memref<4x4x8x129xf32, #tpu.memory_space<vmem>>[vector<16xi32>, vector<16xi32>, vector<16xi32>, vector<16xi32>], vector<16xf32>,
        %add3A_830 = arith.constant 2 : i32
        %add3A_831 = vector.broadcast %add3A_830 : i32 to vector<16xi32>
        %add3A_832 = arith.addi %select_n3A, %add3A_831 : vector<16xi32>
        tpu.vector_store_idx %arg11[%add3A_832, %broadcast_in_dim3A, %select_n3A_45, %broadcast_in_dim3A_752], %get3A_758 : memref<4x4x8x129xf32, #tpu.memory_space<vmem>>[vector<16xi32>, vector<16xi32>, vector<16xi32>, vector<16xi32>], vector<16xf32>,
        tpu.vector_store_idx %arg11[%select_n3A, %broadcast_in_dim3A, %select_n3A_45, %broadcast_in_dim3A_765], %get3A_768 : memref<4x4x8x129xf32, #tpu.memory_space<vmem>>[vector<16xi32>, vector<16xi32>, vector<16xi32>, vector<16xi32>], vector<16xf32>,
        %add3A_833 = arith.constant 2 : i32
        %add3A_834 = vector.broadcast %add3A_833 : i32 to vector<16xi32>
        %add3A_835 = arith.addi %select_n3A, %add3A_834 : vector<16xi32>
        tpu.vector_store_idx %arg11[%add3A_835, %broadcast_in_dim3A, %select_n3A_45, %broadcast_in_dim3A_765], %get3A_771 : memref<4x4x8x129xf32, #tpu.memory_space<vmem>>[vector<16xi32>, vector<16xi32>, vector<16xi32>, vector<16xi32>], vector<16xf32>,
        tpu.vector_store_idx %arg11[%select_n3A, %broadcast_in_dim3A, %select_n3A_45, %broadcast_in_dim3A_778], %get3A_781 : memref<4x4x8x129xf32, #tpu.memory_space<vmem>>[vector<16xi32>, vector<16xi32>, vector<16xi32>, vector<16xi32>], vector<16xf32>,
        %add3A_836 = arith.constant 2 : i32
        %add3A_837 = vector.broadcast %add3A_836 : i32 to vector<16xi32>
        %add3A_838 = arith.addi %select_n3A, %add3A_837 : vector<16xi32>
        tpu.vector_store_idx %arg11[%add3A_838, %broadcast_in_dim3A, %select_n3A_45, %broadcast_in_dim3A_778], %get3A_784 : memref<4x4x8x129xf32, #tpu.memory_space<vmem>>[vector<16xi32>, vector<16xi32>, vector<16xi32>, vector<16xi32>], vector<16xf32>,
        tpu.vector_store_idx %arg11[%select_n3A, %broadcast_in_dim3A, %select_n3A_45, %broadcast_in_dim3A_791], %get3A_794 : memref<4x4x8x129xf32, #tpu.memory_space<vmem>>[vector<16xi32>, vector<16xi32>, vector<16xi32>, vector<16xi32>], vector<16xf32>,
        %add3A_839 = arith.constant 2 : i32
        %add3A_840 = vector.broadcast %add3A_839 : i32 to vector<16xi32>
        %add3A_841 = arith.addi %select_n3A, %add3A_840 : vector<16xi32>
        tpu.vector_store_idx %arg11[%add3A_841, %broadcast_in_dim3A, %select_n3A_45, %broadcast_in_dim3A_791], %get3A_797 : memref<4x4x8x129xf32, #tpu.memory_space<vmem>>[vector<16xi32>, vector<16xi32>, vector<16xi32>, vector<16xi32>], vector<16xf32>,
        tpu.vector_store_idx %arg11[%select_n3A, %broadcast_in_dim3A, %select_n3A_45, %broadcast_in_dim3A_804], %get3A_807 : memref<4x4x8x129xf32, #tpu.memory_space<vmem>>[vector<16xi32>, vector<16xi32>, vector<16xi32>, vector<16xi32>], vector<16xf32>,
        %add3A_842 = arith.constant 2 : i32
        %add3A_843 = vector.broadcast %add3A_842 : i32 to vector<16xi32>
        %add3A_844 = arith.addi %select_n3A, %add3A_843 : vector<16xi32>
        tpu.vector_store_idx %arg11[%add3A_844, %broadcast_in_dim3A, %select_n3A_45, %broadcast_in_dim3A_804], %get3A_810 : memref<4x4x8x129xf32, #tpu.memory_space<vmem>>[vector<16xi32>, vector<16xi32>, vector<16xi32>, vector<16xi32>], vector<16xf32>,
        tpu.vector_store_idx %arg11[%select_n3A, %broadcast_in_dim3A, %select_n3A_45, %broadcast_in_dim3A_817], %get3A_820 : memref<4x4x8x129xf32, #tpu.memory_space<vmem>>[vector<16xi32>, vector<16xi32>, vector<16xi32>, vector<16xi32>], vector<16xf32>,
        %add3A_845 = arith.constant 2 : i32
        %add3A_846 = vector.broadcast %add3A_845 : i32 to vector<16xi32>
        %add3A_847 = arith.addi %select_n3A, %add3A_846 : vector<16xi32>
        tpu.vector_store_idx %arg11[%add3A_847, %broadcast_in_dim3A, %select_n3A_45, %broadcast_in_dim3A_817], %get3A_823 : memref<4x4x8x129xf32, #tpu.memory_space<vmem>>[vector<16xi32>, vector<16xi32>, vector<16xi32>, vector<16xi32>], vector<16xf32>,
      }
      %scan3A_549 = arith.constant 64 : i32
      %jit3A_550 = arith.constant 8 : i32
      %div3A_551 = arith.divsi %add3A_509, %jit3A_550 : i32
      %sign3A_552 = arith.constant 0 : i32
      %sign3A_553 = arith.cmpi sgt, %add3A_509, %sign3A_552 : i32
      %sign3A_554 = arith.extui %sign3A_553 : i1 to i32
      %sign3A_555 = arith.constant 0 : i32
      %sign3A_556 = arith.cmpi slt, %add3A_509, %sign3A_555 : i32
      %sign3A_557 = arith.extui %sign3A_556 : i1 to i32
      %sign3A_558 = arith.subi %sign3A_554, %sign3A_557 : i32
      %sign3A_559 = arith.constant 0 : i32
      %sign3A_560 = arith.cmpi sgt, %jit3A_550, %sign3A_559 : i32
      %sign3A_561 = arith.extui %sign3A_560 : i1 to i32
      %sign3A_562 = arith.constant 0 : i32
      %sign3A_563 = arith.cmpi slt, %jit3A_550, %sign3A_562 : i32
      %sign3A_564 = arith.extui %sign3A_563 : i1 to i32
      %sign3A_565 = arith.subi %sign3A_561, %sign3A_564 : i32
      %ne3A_566 = arith.cmpi ne, %sign3A_558, %sign3A_565 : i32
      %rem3A_567 = arith.remsi %add3A_509, %jit3A_550 : i32
      %ne3A_568 = arith.constant 0 : i32
      %ne3A_569 = arith.cmpi ne, %rem3A_567, %ne3A_568 : i32
      %and3A_570 = arith.andi %ne3A_566, %ne3A_569 : i1
      %sub3A_571 = arith.constant 1 : i32
      %sub3A_572 = arith.subi %div3A_551, %sub3A_571 : i32
      %select_n3A_573 = arith.select %and3A_570, %sub3A_572, %div3A_551 : i32
      %jit3A_574 = arith.constant 8 : i32
      %eq3A_575 = arith.constant 0 : i32
      %eq3A_576 = arith.cmpi eq, %jit3A_574, %eq3A_575 : i32
      %jit3A_577 = arith.constant 1 : i32
      %select_n3A_578 = arith.select %eq3A_576, %jit3A_577, %jit3A_574 : i32
      %rem3A_579 = arith.remsi %add3A_509, %select_n3A_578 : i32
      %ne3A_580 = arith.constant 0 : i32
      %ne3A_581 = arith.cmpi ne, %rem3A_579, %ne3A_580 : i32
      %lt3A_582 = arith.constant 0 : i32
      %lt3A_583 = arith.cmpi slt, %rem3A_579, %lt3A_582 : i32
      %lt3A_584 = arith.constant 0 : i32
      %lt3A_585 = arith.cmpi slt, %select_n3A_578, %lt3A_584 : i32
      %ne3A_586 = arith.xori %lt3A_583, %lt3A_585 : i1
      %and3A_587 = arith.andi %ne3A_586, %ne3A_581 : i1
      %add3A_588 = arith.addi %rem3A_579, %select_n3A_578 : i32
      %select_n3A_589 = arith.select %and3A_587, %add3A_588, %rem3A_579 : i32
      %mul3A_590 = arith.constant 4 : i32
      %mul3A_591 = arith.muli %select_n3A_589, %mul3A_590 : i32
      %dma_start3A_592 = arith.constant 0 : i32
      %dma_start3A_593 = arith.constant 0 : i32
      %dma_start3A_594 = arith.constant 0 : i32
      %dma_start3A_595 = arith.constant 0 : i32
      %dma_start3A_596 = arith.constant 0 : i32
      %dma_start3A_597 = tpu.memref_slice %arg11[%dma_start3A_592, %dma_start3A_594, %dma_start3A_595, %dma_start3A_596] : memref<4x4x8x129xf32, #tpu.memory_space<vmem>> -> memref<1x4x8x128xf32, #tpu.memory_space<vmem>>
      %dma_start3A_598 = tpu.memref_squeeze %dma_start3A_597 : memref<1x4x8x128xf32, #tpu.memory_space<vmem>> -> memref<4x8x128xf32, #tpu.memory_space<vmem>>
      %dma_start3A_599 = arith.constant 0 : i32
      %dma_start3A_600 = arith.constant 0 : i32
      %dma_start3A_601 = tpu.memref_slice %arg5[%select_n3A_573, %dma_start3A_593, %mul3A_591, %dma_start3A_599, %dma_start3A_600] : memref<200x4x32x8x128xf32, #tpu.memory_space<hbm>> -> memref<1x1x4x8x128xf32, #tpu.memory_space<hbm>>
      %dma_start3A_602 = tpu.memref_squeeze %dma_start3A_601 : memref<1x1x4x8x128xf32, #tpu.memory_space<hbm>> -> memref<4x8x128xf32, #tpu.memory_space<hbm>>
      %dma_start3A_603 = arith.constant 0 : i32
      %dma_start3A_604 = arith.constant 0 : i32
      %dma_start3A_605 = tpu.memref_slice %arg5[%select_n3A_573, %dma_start3A_593, %mul3A_591, %dma_start3A_603, %dma_start3A_604] : memref<200x4x32x8x128xf32, #tpu.memory_space<hbm>> -> memref<1x1x4x8x128xf32, #tpu.memory_space<hbm>>
      %dma_start3A_606 = tpu.memref_squeeze %dma_start3A_605 : memref<1x1x4x8x128xf32, #tpu.memory_space<hbm>> -> memref<4x8x128xf32, #tpu.memory_space<hbm>>
      %dma_start3A_607 = arith.constant 0 : i32
      %dma_start3A_608 = arith.constant 0 : i32
      %dma_start3A_609 = arith.constant 0 : i32
      %dma_start3A_610 = tpu.memref_slice %arg11[%dma_start3A_592, %dma_start3A_607, %dma_start3A_608, %dma_start3A_609] : memref<4x4x8x129xf32, #tpu.memory_space<vmem>> -> memref<1x4x8x128xf32, #tpu.memory_space<vmem>>
      %dma_start3A_611 = tpu.memref_squeeze %dma_start3A_610 : memref<1x4x8x128xf32, #tpu.memory_space<vmem>> -> memref<4x8x128xf32, #tpu.memory_space<vmem>>
      tpu.enqueue_dma source(%dma_start3A_611 : memref<4x8x128xf32, #tpu.memory_space<vmem>>) target(%dma_start3A_606 : memref<4x8x128xf32, #tpu.memory_space<hbm>>) target_semaphore(%arg17 : memref<!tpu.dma_semaphore, #tpu.memory_space<semaphore_mem>>)
      %mul3A_612 = arith.constant 4 : i32
      %mul3A_613 = arith.muli %select_n3A_589, %mul3A_612 : i32
      %dma_start3A_614 = arith.constant 1 : i32
      %dma_start3A_615 = arith.constant 1 : i32
      %dma_start3A_616 = arith.constant 0 : i32
      %dma_start3A_617 = arith.constant 0 : i32
      %dma_start3A_618 = arith.constant 0 : i32
      %dma_start3A_619 = tpu.memref_slice %arg11[%dma_start3A_614, %dma_start3A_616, %dma_start3A_617, %dma_start3A_618] : memref<4x4x8x129xf32, #tpu.memory_space<vmem>> -> memref<1x4x8x128xf32, #tpu.memory_space<vmem>>
      %dma_start3A_620 = tpu.memref_squeeze %dma_start3A_619 : memref<1x4x8x128xf32, #tpu.memory_space<vmem>> -> memref<4x8x128xf32, #tpu.memory_space<vmem>>
      %dma_start3A_621 = arith.constant 0 : i32
      %dma_start3A_622 = arith.constant 0 : i32
      %dma_start3A_623 = tpu.memref_slice %arg5[%select_n3A_573, %dma_start3A_615, %mul3A_613, %dma_start3A_621, %dma_start3A_622] : memref<200x4x32x8x128xf32, #tpu.memory_space<hbm>> -> memref<1x1x4x8x128xf32, #tpu.memory_space<hbm>>
      %dma_start3A_624 = tpu.memref_squeeze %dma_start3A_623 : memref<1x1x4x8x128xf32, #tpu.memory_space<hbm>> -> memref<4x8x128xf32, #tpu.memory_space<hbm>>
      %dma_start3A_625 = arith.constant 0 : i32
      %dma_start3A_626 = arith.constant 0 : i32
      %dma_start3A_627 = tpu.memref_slice %arg5[%select_n3A_573, %dma_start3A_615, %mul3A_613, %dma_start3A_625, %dma_start3A_626] : memref<200x4x32x8x128xf32, #tpu.memory_space<hbm>> -> memref<1x1x4x8x128xf32, #tpu.memory_space<hbm>>
      %dma_start3A_628 = tpu.memref_squeeze %dma_start3A_627 : memref<1x1x4x8x128xf32, #tpu.memory_space<hbm>> -> memref<4x8x128xf32, #tpu.memory_space<hbm>>
      %dma_start3A_629 = arith.constant 0 : i32
      %dma_start3A_630 = arith.constant 0 : i32
      %dma_start3A_631 = arith.constant 0 : i32
      %dma_start3A_632 = tpu.memref_slice %arg11[%dma_start3A_614, %dma_start3A_629, %dma_start3A_630, %dma_start3A_631] : memref<4x4x8x129xf32, #tpu.memory_space<vmem>> -> memref<1x4x8x128xf32, #tpu.memory_space<vmem>>
      %dma_start3A_633 = tpu.memref_squeeze %dma_start3A_632 : memref<1x4x8x128xf32, #tpu.memory_space<vmem>> -> memref<4x8x128xf32, #tpu.memory_space<vmem>>
      tpu.enqueue_dma source(%dma_start3A_633 : memref<4x8x128xf32, #tpu.memory_space<vmem>>) target(%dma_start3A_628 : memref<4x8x128xf32, #tpu.memory_space<hbm>>) target_semaphore(%arg17 : memref<!tpu.dma_semaphore, #tpu.memory_space<semaphore_mem>>)
      %mul3A_634 = arith.constant 4 : i32
      %mul3A_635 = arith.muli %select_n3A_589, %mul3A_634 : i32
      %dma_start3A_636 = arith.constant 2 : i32
      %dma_start3A_637 = arith.constant 2 : i32
      %dma_start3A_638 = arith.constant 0 : i32
      %dma_start3A_639 = arith.constant 0 : i32
      %dma_start3A_640 = arith.constant 0 : i32
      %dma_start3A_641 = tpu.memref_slice %arg11[%dma_start3A_636, %dma_start3A_638, %dma_start3A_639, %dma_start3A_640] : memref<4x4x8x129xf32, #tpu.memory_space<vmem>> -> memref<1x4x8x128xf32, #tpu.memory_space<vmem>>
      %dma_start3A_642 = tpu.memref_squeeze %dma_start3A_641 : memref<1x4x8x128xf32, #tpu.memory_space<vmem>> -> memref<4x8x128xf32, #tpu.memory_space<vmem>>
      %dma_start3A_643 = arith.constant 0 : i32
      %dma_start3A_644 = arith.constant 0 : i32
      %dma_start3A_645 = tpu.memref_slice %arg5[%select_n3A_573, %dma_start3A_637, %mul3A_635, %dma_start3A_643, %dma_start3A_644] : memref<200x4x32x8x128xf32, #tpu.memory_space<hbm>> -> memref<1x1x4x8x128xf32, #tpu.memory_space<hbm>>
      %dma_start3A_646 = tpu.memref_squeeze %dma_start3A_645 : memref<1x1x4x8x128xf32, #tpu.memory_space<hbm>> -> memref<4x8x128xf32, #tpu.memory_space<hbm>>
      %dma_start3A_647 = arith.constant 0 : i32
      %dma_start3A_648 = arith.constant 0 : i32
      %dma_start3A_649 = tpu.memref_slice %arg5[%select_n3A_573, %dma_start3A_637, %mul3A_635, %dma_start3A_647, %dma_start3A_648] : memref<200x4x32x8x128xf32, #tpu.memory_space<hbm>> -> memref<1x1x4x8x128xf32, #tpu.memory_space<hbm>>
      %dma_start3A_650 = tpu.memref_squeeze %dma_start3A_649 : memref<1x1x4x8x128xf32, #tpu.memory_space<hbm>> -> memref<4x8x128xf32, #tpu.memory_space<hbm>>
      %dma_start3A_651 = arith.constant 0 : i32
      %dma_start3A_652 = arith.constant 0 : i32
      %dma_start3A_653 = arith.constant 0 : i32
      %dma_start3A_654 = tpu.memref_slice %arg11[%dma_start3A_636, %dma_start3A_651, %dma_start3A_652, %dma_start3A_653] : memref<4x4x8x129xf32, #tpu.memory_space<vmem>> -> memref<1x4x8x128xf32, #tpu.memory_space<vmem>>
      %dma_start3A_655 = tpu.memref_squeeze %dma_start3A_654 : memref<1x4x8x128xf32, #tpu.memory_space<vmem>> -> memref<4x8x128xf32, #tpu.memory_space<vmem>>
      tpu.enqueue_dma source(%dma_start3A_655 : memref<4x8x128xf32, #tpu.memory_space<vmem>>) target(%dma_start3A_650 : memref<4x8x128xf32, #tpu.memory_space<hbm>>) target_semaphore(%arg17 : memref<!tpu.dma_semaphore, #tpu.memory_space<semaphore_mem>>)
      %mul3A_656 = arith.constant 4 : i32
      %mul3A_657 = arith.muli %select_n3A_589, %mul3A_656 : i32
      %dma_start3A_658 = arith.constant 3 : i32
      %dma_start3A_659 = arith.constant 3 : i32
      %dma_start3A_660 = arith.constant 0 : i32
      %dma_start3A_661 = arith.constant 0 : i32
      %dma_start3A_662 = arith.constant 0 : i32
      %dma_start3A_663 = tpu.memref_slice %arg11[%dma_start3A_658, %dma_start3A_660, %dma_start3A_661, %dma_start3A_662] : memref<4x4x8x129xf32, #tpu.memory_space<vmem>> -> memref<1x4x8x128xf32, #tpu.memory_space<vmem>>
      %dma_start3A_664 = tpu.memref_squeeze %dma_start3A_663 : memref<1x4x8x128xf32, #tpu.memory_space<vmem>> -> memref<4x8x128xf32, #tpu.memory_space<vmem>>
      %dma_start3A_665 = arith.constant 0 : i32
      %dma_start3A_666 = arith.constant 0 : i32
      %dma_start3A_667 = tpu.memref_slice %arg5[%select_n3A_573, %dma_start3A_659, %mul3A_657, %dma_start3A_665, %dma_start3A_666] : memref<200x4x32x8x128xf32, #tpu.memory_space<hbm>> -> memref<1x1x4x8x128xf32, #tpu.memory_space<hbm>>
      %dma_start3A_668 = tpu.memref_squeeze %dma_start3A_667 : memref<1x1x4x8x128xf32, #tpu.memory_space<hbm>> -> memref<4x8x128xf32, #tpu.memory_space<hbm>>
      %dma_start3A_669 = arith.constant 0 : i32
      %dma_start3A_670 = arith.constant 0 : i32
      %dma_start3A_671 = tpu.memref_slice %arg5[%select_n3A_573, %dma_start3A_659, %mul3A_657, %dma_start3A_669, %dma_start3A_670] : memref<200x4x32x8x128xf32, #tpu.memory_space<hbm>> -> memref<1x1x4x8x128xf32, #tpu.memory_space<hbm>>
      %dma_start3A_672 = tpu.memref_squeeze %dma_start3A_671 : memref<1x1x4x8x128xf32, #tpu.memory_space<hbm>> -> memref<4x8x128xf32, #tpu.memory_space<hbm>>
      %dma_start3A_673 = arith.constant 0 : i32
      %dma_start3A_674 = arith.constant 0 : i32
      %dma_start3A_675 = arith.constant 0 : i32
      %dma_start3A_676 = tpu.memref_slice %arg11[%dma_start3A_658, %dma_start3A_673, %dma_start3A_674, %dma_start3A_675] : memref<4x4x8x129xf32, #tpu.memory_space<vmem>> -> memref<1x4x8x128xf32, #tpu.memory_space<vmem>>
      %dma_start3A_677 = tpu.memref_squeeze %dma_start3A_676 : memref<1x4x8x128xf32, #tpu.memory_space<vmem>> -> memref<4x8x128xf32, #tpu.memory_space<vmem>>
      tpu.enqueue_dma source(%dma_start3A_677 : memref<4x8x128xf32, #tpu.memory_space<vmem>>) target(%dma_start3A_672 : memref<4x8x128xf32, #tpu.memory_space<hbm>>) target_semaphore(%arg17 : memref<!tpu.dma_semaphore, #tpu.memory_space<semaphore_mem>>)
    }
    %scan3A_149 = arith.constant 25 : i32
    %dma_wait3A_150 = arith.constant 0 : i32
    %dma_wait3A_151 = arith.constant 0 : i32
    %dma_wait3A_152 = arith.constant 0 : i32
    %dma_wait3A_153 = arith.constant 0 : i32
    %dma_wait3A_154 = arith.constant 0 : i32
    %dma_wait3A_155 = arith.constant 0 : i32
    %dma_wait3A_156 = tpu.memref_slice %arg10[%dma_wait3A_150, %dma_wait3A_153, %dma_wait3A_154, %dma_wait3A_155] : memref<4x4x8x129xf32, #tpu.memory_space<vmem>> -> memref<1x4x8x128xf32, #tpu.memory_space<vmem>>
    %dma_wait3A_157 = tpu.memref_squeeze %dma_wait3A_156 : memref<1x4x8x128xf32, #tpu.memory_space<vmem>> -> memref<4x8x128xf32, #tpu.memory_space<vmem>>
    %dma_wait3A_158 = arith.constant 0 : i32
    %dma_wait3A_159 = arith.constant 0 : i32
    %dma_wait3A_160 = arith.constant 0 : i32
    %dma_wait3A_161 = tpu.memref_slice %arg5[%dma_wait3A_151, %dma_wait3A_152, %dma_wait3A_158, %dma_wait3A_159, %dma_wait3A_160] : memref<200x4x32x8x128xf32, #tpu.memory_space<hbm>> -> memref<1x1x4x8x128xf32, #tpu.memory_space<hbm>>
    %dma_wait3A_162 = tpu.memref_squeeze %dma_wait3A_161 : memref<1x1x4x8x128xf32, #tpu.memory_space<hbm>> -> memref<4x8x128xf32, #tpu.memory_space<hbm>>
    %dma_wait3A_163 = arith.constant 0 : i32
    %dma_wait3A_164 = arith.constant 0 : i32
    %dma_wait3A_165 = arith.constant 0 : i32
    %dma_wait3A_166 = tpu.memref_slice %arg5[%dma_wait3A_151, %dma_wait3A_152, %dma_wait3A_163, %dma_wait3A_164, %dma_wait3A_165] : memref<200x4x32x8x128xf32, #tpu.memory_space<hbm>> -> memref<1x1x4x8x128xf32, #tpu.memory_space<hbm>>
    %dma_wait3A_167 = tpu.memref_squeeze %dma_wait3A_166 : memref<1x1x4x8x128xf32, #tpu.memory_space<hbm>> -> memref<4x8x128xf32, #tpu.memory_space<hbm>>
    %dma_wait3A_168 = arith.constant 0 : i32
    %dma_wait3A_169 = arith.constant 0 : i32
    %dma_wait3A_170 = arith.constant 0 : i32
    %dma_wait3A_171 = tpu.memref_slice %arg10[%dma_wait3A_150, %dma_wait3A_168, %dma_wait3A_169, %dma_wait3A_170] : memref<4x4x8x129xf32, #tpu.memory_space<vmem>> -> memref<1x4x8x128xf32, #tpu.memory_space<vmem>>
    %dma_wait3A_172 = tpu.memref_squeeze %dma_wait3A_171 : memref<1x4x8x128xf32, #tpu.memory_space<vmem>> -> memref<4x8x128xf32, #tpu.memory_space<vmem>>
    tpu.wait_dma2 semaphore(%arg16 : memref<!tpu.dma_semaphore, #tpu.memory_space<semaphore_mem>>) src(%dma_wait3A_172 : memref<4x8x128xf32, #tpu.memory_space<vmem>>) dst(%dma_wait3A_167 : memref<4x8x128xf32, #tpu.memory_space<hbm>>)
    %dma_wait3A_173 = arith.constant 0 : i32
    %dma_wait3A_174 = arith.constant 0 : i32
    %dma_wait3A_175 = arith.constant 0 : i32
    %dma_wait3A_176 = arith.constant 0 : i32
    %dma_wait3A_177 = arith.constant 0 : i32
    %dma_wait3A_178 = arith.constant 0 : i32
    %dma_wait3A_179 = tpu.memref_slice %arg10[%dma_wait3A_173, %dma_wait3A_176, %dma_wait3A_177, %dma_wait3A_178] : memref<4x4x8x129xf32, #tpu.memory_space<vmem>> -> memref<1x4x8x128xf32, #tpu.memory_space<vmem>>
    %dma_wait3A_180 = tpu.memref_squeeze %dma_wait3A_179 : memref<1x4x8x128xf32, #tpu.memory_space<vmem>> -> memref<4x8x128xf32, #tpu.memory_space<vmem>>
    %dma_wait3A_181 = arith.constant 0 : i32
    %dma_wait3A_182 = arith.constant 0 : i32
    %dma_wait3A_183 = arith.constant 0 : i32
    %dma_wait3A_184 = tpu.memref_slice %arg5[%dma_wait3A_174, %dma_wait3A_175, %dma_wait3A_181, %dma_wait3A_182, %dma_wait3A_183] : memref<200x4x32x8x128xf32, #tpu.memory_space<hbm>> -> memref<1x1x4x8x128xf32, #tpu.memory_space<hbm>>
    %dma_wait3A_185 = tpu.memref_squeeze %dma_wait3A_184 : memref<1x1x4x8x128xf32, #tpu.memory_space<hbm>> -> memref<4x8x128xf32, #tpu.memory_space<hbm>>
    %dma_wait3A_186 = arith.constant 0 : i32
    %dma_wait3A_187 = arith.constant 0 : i32
    %dma_wait3A_188 = arith.constant 0 : i32
    %dma_wait3A_189 = tpu.memref_slice %arg5[%dma_wait3A_174, %dma_wait3A_175, %dma_wait3A_186, %dma_wait3A_187, %dma_wait3A_188] : memref<200x4x32x8x128xf32, #tpu.memory_space<hbm>> -> memref<1x1x4x8x128xf32, #tpu.memory_space<hbm>>
    %dma_wait3A_190 = tpu.memref_squeeze %dma_wait3A_189 : memref<1x1x4x8x128xf32, #tpu.memory_space<hbm>> -> memref<4x8x128xf32, #tpu.memory_space<hbm>>
    %dma_wait3A_191 = arith.constant 0 : i32
    %dma_wait3A_192 = arith.constant 0 : i32
    %dma_wait3A_193 = arith.constant 0 : i32
    %dma_wait3A_194 = tpu.memref_slice %arg10[%dma_wait3A_173, %dma_wait3A_191, %dma_wait3A_192, %dma_wait3A_193] : memref<4x4x8x129xf32, #tpu.memory_space<vmem>> -> memref<1x4x8x128xf32, #tpu.memory_space<vmem>>
    %dma_wait3A_195 = tpu.memref_squeeze %dma_wait3A_194 : memref<1x4x8x128xf32, #tpu.memory_space<vmem>> -> memref<4x8x128xf32, #tpu.memory_space<vmem>>
    tpu.wait_dma2 semaphore(%arg16 : memref<!tpu.dma_semaphore, #tpu.memory_space<semaphore_mem>>) src(%dma_wait3A_195 : memref<4x8x128xf32, #tpu.memory_space<vmem>>) dst(%dma_wait3A_190 : memref<4x8x128xf32, #tpu.memory_space<hbm>>)
    %dma_wait3A_196 = arith.constant 0 : i32
    %dma_wait3A_197 = arith.constant 0 : i32
    %dma_wait3A_198 = arith.constant 0 : i32
    %dma_wait3A_199 = arith.constant 0 : i32
    %dma_wait3A_200 = arith.constant 0 : i32
    %dma_wait3A_201 = arith.constant 0 : i32
    %dma_wait3A_202 = tpu.memref_slice %arg10[%dma_wait3A_196, %dma_wait3A_199, %dma_wait3A_200, %dma_wait3A_201] : memref<4x4x8x129xf32, #tpu.memory_space<vmem>> -> memref<1x4x8x128xf32, #tpu.memory_space<vmem>>
    %dma_wait3A_203 = tpu.memref_squeeze %dma_wait3A_202 : memref<1x4x8x128xf32, #tpu.memory_space<vmem>> -> memref<4x8x128xf32, #tpu.memory_space<vmem>>
    %dma_wait3A_204 = arith.constant 0 : i32
    %dma_wait3A_205 = arith.constant 0 : i32
    %dma_wait3A_206 = arith.constant 0 : i32
    %dma_wait3A_207 = tpu.memref_slice %arg5[%dma_wait3A_197, %dma_wait3A_198, %dma_wait3A_204, %dma_wait3A_205, %dma_wait3A_206] : memref<200x4x32x8x128xf32, #tpu.memory_space<hbm>> -> memref<1x1x4x8x128xf32, #tpu.memory_space<hbm>>
    %dma_wait3A_208 = tpu.memref_squeeze %dma_wait3A_207 : memref<1x1x4x8x128xf32, #tpu.memory_space<hbm>> -> memref<4x8x128xf32, #tpu.memory_space<hbm>>
    %dma_wait3A_209 = arith.constant 0 : i32
    %dma_wait3A_210 = arith.constant 0 : i32
    %dma_wait3A_211 = arith.constant 0 : i32
    %dma_wait3A_212 = tpu.memref_slice %arg5[%dma_wait3A_197, %dma_wait3A_198, %dma_wait3A_209, %dma_wait3A_210, %dma_wait3A_211] : memref<200x4x32x8x128xf32, #tpu.memory_space<hbm>> -> memref<1x1x4x8x128xf32, #tpu.memory_space<hbm>>
    %dma_wait3A_213 = tpu.memref_squeeze %dma_wait3A_212 : memref<1x1x4x8x128xf32, #tpu.memory_space<hbm>> -> memref<4x8x128xf32, #tpu.memory_space<hbm>>
    %dma_wait3A_214 = arith.constant 0 : i32
    %dma_wait3A_215 = arith.constant 0 : i32
    %dma_wait3A_216 = arith.constant 0 : i32
    %dma_wait3A_217 = tpu.memref_slice %arg10[%dma_wait3A_196, %dma_wait3A_214, %dma_wait3A_215, %dma_wait3A_216] : memref<4x4x8x129xf32, #tpu.memory_space<vmem>> -> memref<1x4x8x128xf32, #tpu.memory_space<vmem>>
    %dma_wait3A_218 = tpu.memref_squeeze %dma_wait3A_217 : memref<1x4x8x128xf32, #tpu.memory_space<vmem>> -> memref<4x8x128xf32, #tpu.memory_space<vmem>>
    tpu.wait_dma2 semaphore(%arg16 : memref<!tpu.dma_semaphore, #tpu.memory_space<semaphore_mem>>) src(%dma_wait3A_218 : memref<4x8x128xf32, #tpu.memory_space<vmem>>) dst(%dma_wait3A_213 : memref<4x8x128xf32, #tpu.memory_space<hbm>>)
    %dma_wait3A_219 = arith.constant 0 : i32
    %dma_wait3A_220 = arith.constant 0 : i32
    %dma_wait3A_221 = arith.constant 0 : i32
    %dma_wait3A_222 = arith.constant 0 : i32
    %dma_wait3A_223 = arith.constant 0 : i32
    %dma_wait3A_224 = arith.constant 0 : i32
    %dma_wait3A_225 = tpu.memref_slice %arg10[%dma_wait3A_219, %dma_wait3A_222, %dma_wait3A_223, %dma_wait3A_224] : memref<4x4x8x129xf32, #tpu.memory_space<vmem>> -> memref<1x4x8x128xf32, #tpu.memory_space<vmem>>
    %dma_wait3A_226 = tpu.memref_squeeze %dma_wait3A_225 : memref<1x4x8x128xf32, #tpu.memory_space<vmem>> -> memref<4x8x128xf32, #tpu.memory_space<vmem>>
    %dma_wait3A_227 = arith.constant 0 : i32
    %dma_wait3A_228 = arith.constant 0 : i32
    %dma_wait3A_229 = arith.constant 0 : i32
    %dma_wait3A_230 = tpu.memref_slice %arg5[%dma_wait3A_220, %dma_wait3A_221, %dma_wait3A_227, %dma_wait3A_228, %dma_wait3A_229] : memref<200x4x32x8x128xf32, #tpu.memory_space<hbm>> -> memref<1x1x4x8x128xf32, #tpu.memory_space<hbm>>
    %dma_wait3A_231 = tpu.memref_squeeze %dma_wait3A_230 : memref<1x1x4x8x128xf32, #tpu.memory_space<hbm>> -> memref<4x8x128xf32, #tpu.memory_space<hbm>>
    %dma_wait3A_232 = arith.constant 0 : i32
    %dma_wait3A_233 = arith.constant 0 : i32
    %dma_wait3A_234 = arith.constant 0 : i32
    %dma_wait3A_235 = tpu.memref_slice %arg5[%dma_wait3A_220, %dma_wait3A_221, %dma_wait3A_232, %dma_wait3A_233, %dma_wait3A_234] : memref<200x4x32x8x128xf32, #tpu.memory_space<hbm>> -> memref<1x1x4x8x128xf32, #tpu.memory_space<hbm>>
    %dma_wait3A_236 = tpu.memref_squeeze %dma_wait3A_235 : memref<1x1x4x8x128xf32, #tpu.memory_space<hbm>> -> memref<4x8x128xf32, #tpu.memory_space<hbm>>
    %dma_wait3A_237 = arith.constant 0 : i32
    %dma_wait3A_238 = arith.constant 0 : i32
    %dma_wait3A_239 = arith.constant 0 : i32
    %dma_wait3A_240 = tpu.memref_slice %arg10[%dma_wait3A_219, %dma_wait3A_237, %dma_wait3A_238, %dma_wait3A_239] : memref<4x4x8x129xf32, #tpu.memory_space<vmem>> -> memref<1x4x8x128xf32, #tpu.memory_space<vmem>>
    %dma_wait3A_241 = tpu.memref_squeeze %dma_wait3A_240 : memref<1x4x8x128xf32, #tpu.memory_space<vmem>> -> memref<4x8x128xf32, #tpu.memory_space<vmem>>
    tpu.wait_dma2 semaphore(%arg16 : memref<!tpu.dma_semaphore, #tpu.memory_space<semaphore_mem>>) src(%dma_wait3A_241 : memref<4x8x128xf32, #tpu.memory_space<vmem>>) dst(%dma_wait3A_236 : memref<4x8x128xf32, #tpu.memory_space<hbm>>)
    %dma_wait3A_242 = arith.constant 0 : i32
    %dma_wait3A_243 = arith.constant 0 : i32
    %dma_wait3A_244 = arith.constant 0 : i32
    %dma_wait3A_245 = arith.constant 0 : i32
    %dma_wait3A_246 = arith.constant 0 : i32
    %dma_wait3A_247 = arith.constant 0 : i32
    %dma_wait3A_248 = tpu.memref_slice %arg11[%dma_wait3A_242, %dma_wait3A_245, %dma_wait3A_246, %dma_wait3A_247] : memref<4x4x8x129xf32, #tpu.memory_space<vmem>> -> memref<1x4x8x128xf32, #tpu.memory_space<vmem>>
    %dma_wait3A_249 = tpu.memref_squeeze %dma_wait3A_248 : memref<1x4x8x128xf32, #tpu.memory_space<vmem>> -> memref<4x8x128xf32, #tpu.memory_space<vmem>>
    %dma_wait3A_250 = arith.constant 0 : i32
    %dma_wait3A_251 = arith.constant 0 : i32
    %dma_wait3A_252 = arith.constant 0 : i32
    %dma_wait3A_253 = tpu.memref_slice %arg5[%dma_wait3A_243, %dma_wait3A_244, %dma_wait3A_250, %dma_wait3A_251, %dma_wait3A_252] : memref<200x4x32x8x128xf32, #tpu.memory_space<hbm>> -> memref<1x1x4x8x128xf32, #tpu.memory_space<hbm>>
    %dma_wait3A_254 = tpu.memref_squeeze %dma_wait3A_253 : memref<1x1x4x8x128xf32, #tpu.memory_space<hbm>> -> memref<4x8x128xf32, #tpu.memory_space<hbm>>
    %dma_wait3A_255 = arith.constant 0 : i32
    %dma_wait3A_256 = arith.constant 0 : i32
    %dma_wait3A_257 = arith.constant 0 : i32
    %dma_wait3A_258 = tpu.memref_slice %arg5[%dma_wait3A_243, %dma_wait3A_244, %dma_wait3A_255, %dma_wait3A_256, %dma_wait3A_257] : memref<200x4x32x8x128xf32, #tpu.memory_space<hbm>> -> memref<1x1x4x8x128xf32, #tpu.memory_space<hbm>>
    %dma_wait3A_259 = tpu.memref_squeeze %dma_wait3A_258 : memref<1x1x4x8x128xf32, #tpu.memory_space<hbm>> -> memref<4x8x128xf32, #tpu.memory_space<hbm>>
    %dma_wait3A_260 = arith.constant 0 : i32
    %dma_wait3A_261 = arith.constant 0 : i32
    %dma_wait3A_262 = arith.constant 0 : i32
    %dma_wait3A_263 = tpu.memref_slice %arg11[%dma_wait3A_242, %dma_wait3A_260, %dma_wait3A_261, %dma_wait3A_262] : memref<4x4x8x129xf32, #tpu.memory_space<vmem>> -> memref<1x4x8x128xf32, #tpu.memory_space<vmem>>
    %dma_wait3A_264 = tpu.memref_squeeze %dma_wait3A_263 : memref<1x4x8x128xf32, #tpu.memory_space<vmem>> -> memref<4x8x128xf32, #tpu.memory_space<vmem>>
    tpu.wait_dma2 semaphore(%arg17 : memref<!tpu.dma_semaphore, #tpu.memory_space<semaphore_mem>>) src(%dma_wait3A_264 : memref<4x8x128xf32, #tpu.memory_space<vmem>>) dst(%dma_wait3A_259 : memref<4x8x128xf32, #tpu.memory_space<hbm>>)
    %dma_wait3A_265 = arith.constant 0 : i32
    %dma_wait3A_266 = arith.constant 0 : i32
    %dma_wait3A_267 = arith.constant 0 : i32
    %dma_wait3A_268 = arith.constant 0 : i32
    %dma_wait3A_269 = arith.constant 0 : i32
    %dma_wait3A_270 = arith.constant 0 : i32
    %dma_wait3A_271 = tpu.memref_slice %arg11[%dma_wait3A_265, %dma_wait3A_268, %dma_wait3A_269, %dma_wait3A_270] : memref<4x4x8x129xf32, #tpu.memory_space<vmem>> -> memref<1x4x8x128xf32, #tpu.memory_space<vmem>>
    %dma_wait3A_272 = tpu.memref_squeeze %dma_wait3A_271 : memref<1x4x8x128xf32, #tpu.memory_space<vmem>> -> memref<4x8x128xf32, #tpu.memory_space<vmem>>
    %dma_wait3A_273 = arith.constant 0 : i32
    %dma_wait3A_274 = arith.constant 0 : i32
    %dma_wait3A_275 = arith.constant 0 : i32
    %dma_wait3A_276 = tpu.memref_slice %arg5[%dma_wait3A_266, %dma_wait3A_267, %dma_wait3A_273, %dma_wait3A_274, %dma_wait3A_275] : memref<200x4x32x8x128xf32, #tpu.memory_space<hbm>> -> memref<1x1x4x8x128xf32, #tpu.memory_space<hbm>>
    %dma_wait3A_277 = tpu.memref_squeeze %dma_wait3A_276 : memref<1x1x4x8x128xf32, #tpu.memory_space<hbm>> -> memref<4x8x128xf32, #tpu.memory_space<hbm>>
    %dma_wait3A_278 = arith.constant 0 : i32
    %dma_wait3A_279 = arith.constant 0 : i32
    %dma_wait3A_280 = arith.constant 0 : i32
    %dma_wait3A_281 = tpu.memref_slice %arg5[%dma_wait3A_266, %dma_wait3A_267, %dma_wait3A_278, %dma_wait3A_279, %dma_wait3A_280] : memref<200x4x32x8x128xf32, #tpu.memory_space<hbm>> -> memref<1x1x4x8x128xf32, #tpu.memory_space<hbm>>
    %dma_wait3A_282 = tpu.memref_squeeze %dma_wait3A_281 : memref<1x1x4x8x128xf32, #tpu.memory_space<hbm>> -> memref<4x8x128xf32, #tpu.memory_space<hbm>>
    %dma_wait3A_283 = arith.constant 0 : i32
    %dma_wait3A_284 = arith.constant 0 : i32
    %dma_wait3A_285 = arith.constant 0 : i32
    %dma_wait3A_286 = tpu.memref_slice %arg11[%dma_wait3A_265, %dma_wait3A_283, %dma_wait3A_284, %dma_wait3A_285] : memref<4x4x8x129xf32, #tpu.memory_space<vmem>> -> memref<1x4x8x128xf32, #tpu.memory_space<vmem>>
    %dma_wait3A_287 = tpu.memref_squeeze %dma_wait3A_286 : memref<1x4x8x128xf32, #tpu.memory_space<vmem>> -> memref<4x8x128xf32, #tpu.memory_space<vmem>>
    tpu.wait_dma2 semaphore(%arg17 : memref<!tpu.dma_semaphore, #tpu.memory_space<semaphore_mem>>) src(%dma_wait3A_287 : memref<4x8x128xf32, #tpu.memory_space<vmem>>) dst(%dma_wait3A_282 : memref<4x8x128xf32, #tpu.memory_space<hbm>>)
    %dma_wait3A_288 = arith.constant 0 : i32
    %dma_wait3A_289 = arith.constant 0 : i32
    %dma_wait3A_290 = arith.constant 0 : i32
    %dma_wait3A_291 = arith.constant 0 : i32
    %dma_wait3A_292 = arith.constant 0 : i32
    %dma_wait3A_293 = arith.constant 0 : i32
    %dma_wait3A_294 = tpu.memref_slice %arg11[%dma_wait3A_288, %dma_wait3A_291, %dma_wait3A_292, %dma_wait3A_293] : memref<4x4x8x129xf32, #tpu.memory_space<vmem>> -> memref<1x4x8x128xf32, #tpu.memory_space<vmem>>
    %dma_wait3A_295 = tpu.memref_squeeze %dma_wait3A_294 : memref<1x4x8x128xf32, #tpu.memory_space<vmem>> -> memref<4x8x128xf32, #tpu.memory_space<vmem>>
    %dma_wait3A_296 = arith.constant 0 : i32
    %dma_wait3A_297 = arith.constant 0 : i32
    %dma_wait3A_298 = arith.constant 0 : i32
    %dma_wait3A_299 = tpu.memref_slice %arg5[%dma_wait3A_289, %dma_wait3A_290, %dma_wait3A_296, %dma_wait3A_297, %dma_wait3A_298] : memref<200x4x32x8x128xf32, #tpu.memory_space<hbm>> -> memref<1x1x4x8x128xf32, #tpu.memory_space<hbm>>
    %dma_wait3A_300 = tpu.memref_squeeze %dma_wait3A_299 : memref<1x1x4x8x128xf32, #tpu.memory_space<hbm>> -> memref<4x8x128xf32, #tpu.memory_space<hbm>>
    %dma_wait3A_301 = arith.constant 0 : i32
    %dma_wait3A_302 = arith.constant 0 : i32
    %dma_wait3A_303 = arith.constant 0 : i32
    %dma_wait3A_304 = tpu.memref_slice %arg5[%dma_wait3A_289, %dma_wait3A_290, %dma_wait3A_301, %dma_wait3A_302, %dma_wait3A_303] : memref<200x4x32x8x128xf32, #tpu.memory_space<hbm>> -> memref<1x1x4x8x128xf32, #tpu.memory_space<hbm>>
    %dma_wait3A_305 = tpu.memref_squeeze %dma_wait3A_304 : memref<1x1x4x8x128xf32, #tpu.memory_space<hbm>> -> memref<4x8x128xf32, #tpu.memory_space<hbm>>
    %dma_wait3A_306 = arith.constant 0 : i32
    %dma_wait3A_307 = arith.constant 0 : i32
    %dma_wait3A_308 = arith.constant 0 : i32
    %dma_wait3A_309 = tpu.memref_slice %arg11[%dma_wait3A_288, %dma_wait3A_306, %dma_wait3A_307, %dma_wait3A_308] : memref<4x4x8x129xf32, #tpu.memory_space<vmem>> -> memref<1x4x8x128xf32, #tpu.memory_space<vmem>>
    %dma_wait3A_310 = tpu.memref_squeeze %dma_wait3A_309 : memref<1x4x8x128xf32, #tpu.memory_space<vmem>> -> memref<4x8x128xf32, #tpu.memory_space<vmem>>
    tpu.wait_dma2 semaphore(%arg17 : memref<!tpu.dma_semaphore, #tpu.memory_space<semaphore_mem>>) src(%dma_wait3A_310 : memref<4x8x128xf32, #tpu.memory_space<vmem>>) dst(%dma_wait3A_305 : memref<4x8x128xf32, #tpu.memory_space<hbm>>)
    %dma_wait3A_311 = arith.constant 0 : i32
    %dma_wait3A_312 = arith.constant 0 : i32
    %dma_wait3A_313 = arith.constant 0 : i32
    %dma_wait3A_314 = arith.constant 0 : i32
    %dma_wait3A_315 = arith.constant 0 : i32
    %dma_wait3A_316 = arith.constant 0 : i32
    %dma_wait3A_317 = tpu.memref_slice %arg11[%dma_wait3A_311, %dma_wait3A_314, %dma_wait3A_315, %dma_wait3A_316] : memref<4x4x8x129xf32, #tpu.memory_space<vmem>> -> memref<1x4x8x128xf32, #tpu.memory_space<vmem>>
    %dma_wait3A_318 = tpu.memref_squeeze %dma_wait3A_317 : memref<1x4x8x128xf32, #tpu.memory_space<vmem>> -> memref<4x8x128xf32, #tpu.memory_space<vmem>>
    %dma_wait3A_319 = arith.constant 0 : i32
    %dma_wait3A_320 = arith.constant 0 : i32
    %dma_wait3A_321 = arith.constant 0 : i32
    %dma_wait3A_322 = tpu.memref_slice %arg5[%dma_wait3A_312, %dma_wait3A_313, %dma_wait3A_319, %dma_wait3A_320, %dma_wait3A_321] : memref<200x4x32x8x128xf32, #tpu.memory_space<hbm>> -> memref<1x1x4x8x128xf32, #tpu.memory_space<hbm>>
    %dma_wait3A_323 = tpu.memref_squeeze %dma_wait3A_322 : memref<1x1x4x8x128xf32, #tpu.memory_space<hbm>> -> memref<4x8x128xf32, #tpu.memory_space<hbm>>
    %dma_wait3A_324 = arith.constant 0 : i32
    %dma_wait3A_325 = arith.constant 0 : i32
    %dma_wait3A_326 = arith.constant 0 : i32
    %dma_wait3A_327 = tpu.memref_slice %arg5[%dma_wait3A_312, %dma_wait3A_313, %dma_wait3A_324, %dma_wait3A_325, %dma_wait3A_326] : memref<200x4x32x8x128xf32, #tpu.memory_space<hbm>> -> memref<1x1x4x8x128xf32, #tpu.memory_space<hbm>>
    %dma_wait3A_328 = tpu.memref_squeeze %dma_wait3A_327 : memref<1x1x4x8x128xf32, #tpu.memory_space<hbm>> -> memref<4x8x128xf32, #tpu.memory_space<hbm>>
    %dma_wait3A_329 = arith.constant 0 : i32
    %dma_wait3A_330 = arith.constant 0 : i32
    %dma_wait3A_331 = arith.constant 0 : i32
    %dma_wait3A_332 = tpu.memref_slice %arg11[%dma_wait3A_311, %dma_wait3A_329, %dma_wait3A_330, %dma_wait3A_331] : memref<4x4x8x129xf32, #tpu.memory_space<vmem>> -> memref<1x4x8x128xf32, #tpu.memory_space<vmem>>
    %dma_wait3A_333 = tpu.memref_squeeze %dma_wait3A_332 : memref<1x4x8x128xf32, #tpu.memory_space<vmem>> -> memref<4x8x128xf32, #tpu.memory_space<vmem>>
    tpu.wait_dma2 semaphore(%arg17 : memref<!tpu.dma_semaphore, #tpu.memory_space<semaphore_mem>>) src(%dma_wait3A_333 : memref<4x8x128xf32, #tpu.memory_space<vmem>>) dst(%dma_wait3A_328 : memref<4x8x128xf32, #tpu.memory_space<hbm>>)
    return
  }
}

</mosaic_0001>

<sc_bundles>
// kernel: kernel.3.cloned.1.call-start
scs
__scs_entry_jumppad:
0x0: {  	(pc) =	sbr.rel $0x88, $3  }
0x1: {  	(tag) =	ssettag $0x0;
	lr =	simm.s32 $0x1  }
0x2: {  	[smem:$0x3F9F] =	sst lr;
	_ =	strace $0xD0000000  }
0x3: {  	_ = 	snop  }
0x4: {  	_ = 	snop  }
0x5: {  	_ = 	snop  }
0x6: {  	_ = 	snop  }
0x7: {  	_ = 	snop  }
__scs_overlays_trampoline_lowered:
0x8: {  	[smem:$0x3FAE] =	sst s0  }
0x9: {  	[smem:$0x3FAF] =	sst s1  }
0xa: {  	[smem:$0x3FB0] =	sst s2  }
0xb: {  	[smem:$0x3FB1] =	sst s3  }
0xc: {  	[smem:$0x3FB2] =	sst s4  }
0xd: {  	[smem:$0x3FB3] =	sst s5  }
0xe: {  	[smem:$0x3FB4] =	sst s6  }
0xf: {  	[smem:$0x3FB5] =	sst s7  }
0x10: {  	[smem:$0x3FB6] =	sst s8  }
0x11: {  	[smem:$0x3FB7] =	sst s9;
	s0 =	simm.s32 @!p0 $0x0  }
0x12: {  	s1 =	sld [smem:$0x3F9D];
	s0 =	simm.s32 @p0 $0x1  }
0x13: {  	[smem:$0x3FB8] =	sst s0;
	s0 =	simm.s32 @!p1 $0x0  }
0x14: {  	s2 =	sld [smem:$0x3F9C];
	s0 =	simm.s32 @p1 $0x1  }
0x15: {  	[smem:$0x3FB9] =	sst s0;
	s0 =	simm.s32 @!p2 $0x0  }
0x16: {  	s3 =	sld [smem:$0x3FDB];
	s0 =	simm.s32 @p2 $0x1  }
0x17: {  	s4 =	simm.s32 $0x1BF5;
	[smem:$0x3FBB] =	sst s0  }
0x18: {  	s0 =	sld [smem:$0x3F9E];
	_ =	swait.ge [sflag:s4], $0x0  }
0x19: {  	s7 =	sld [smem:$0x3F9F]  }
0x1a: {  	s8 =	sadd.s32 $0xFFFFE003, lr  }
0x1b: {  	s9 =	sadd.s32 $0xFFFFFEF7, lr;
	s5 =	simm.s32 $0xFFFFFFFF;
	p2 =	slt.u32 s8, $0xFFFFF086  }
0x1c: {  	p1 =	slt.u32 s9, $0xF7A;
	s5 =	simm.s32 @!p2 $0x0  }
0x1d: {  	s5 =	simm.s32 @p1 $0x1;
	p0 =	seq.s32 s7, s2  }
0x1e: {  	s7 =	smul.u32 @!p0 $0xF7A, s2;
	p2 =	seq.s32 @!p0 s5, $0x0  }
0x1f: {  	s9 =	smul.u32 $0xF7A, s1;
	s8 =	simm.s32 @!p0 $0x1BF5;
	p2 =	por !p2, p0  }
0x20: {  	[sflag:s8] =	ssyncset.s32 @!p0 $0xFFFFF086;
	s6 =	sadd.s32 @!p0 s3, s7;
	s7 =	simm.s32 @!p0 $0x108  }
0x21: {  	s3 =	sadd.s32 s3, s9;
	s6 =	sadd.s32 @!p0 $0x88, s6;
	s7 =	simm.s32 @p2 $0x1082  }
0x22: {  	[simem:s7], [sflag:s8] =	dma.local @!p0 [hbm:s6], $0xF7A  }
0x23: {  	s9 =	sor.u32 $0xD0000000, s2;
	s6 =	simm.s32 $0x108;
	_ =	swait.ge @!p0 [sflag:s8], $0x0  }
0x24: {  	s3 =	sadd.s32 $0x88, s3;
	s6 =	simm.s32 @!p1 $0x1082;
	[sflag:s4] =	ssyncset.s32 $0xFFFFF086  }
0x25: {  	[simem:s6], [sflag:s4] =	dma.local [hbm:s3], $0xF7A  }
0x26: {  	[smem:$0x3F9F] =	sst s1;
	(tag) =	ssettag s2;
	_ =	strace s9  }
0x27: {  	s1 =	sld [smem:$0x3FAF]  }
0x28: {  	s2 =	sld [smem:$0x3FB0]  }
0x29: {  	s4 =	sld [smem:$0x3FB2]  }
0x2a: {  	p0 =	seq.s32 s5, $0x0;
	s5 =	sld [smem:$0x3FB3]  }
0x2b: {  	s6 =	sld [smem:$0x3FB4]  }
0x2c: {  	s7 =	sld [smem:$0x3FB5]  }
0x2d: {  	s3 =	simm.s32 $0x108;
	s8 =	sld [smem:$0x3FB6]  }
0x2e: {  	s3 =	simm.s32 @!p0 $0x1082;
	s9 =	sld [smem:$0x3FB7]  }
0x2f: {  	lr =	sadd.s32 s0, s3;
	s0 =	sld [smem:$0x3FAE]  }
0x30: {  	s3 =	sld [smem:$0x3FB1]  }
0x31: {  	[smem:$0x3FBA] =	sst s10  }
0x32: {  	s10 =	sld [smem:$0x3FB8];
	_ =	sdelay $0x3  }
0x33: {  	p0 =	seq.s32 s10, $0x1;
	s10 =	sld [smem:$0x3FBA];
	_ =	sdelay $0x3  }
0x34: {  	[smem:$0x3FBA] =	sst s10  }
0x35: {  	s10 =	sld [smem:$0x3FB9];
	_ =	sdelay $0x3  }
0x36: {  	p1 =	seq.s32 s10, $0x1;
	s10 =	sld [smem:$0x3FBA];
	_ =	sdelay $0x3  }
0x37: {  	[smem:$0x3FBA] =	sst s10  }
0x38: {  	s10 =	sld [smem:$0x3FBB]  }
0x39: {  	_ = 	snop;
	(pc) =	sbr.ind lr, $3  }
0x3a: {  	_ = 	snop  }
0x3b: {  	_ = 	snop  }
0x3c: {  	p2 =	seq.s32 s10, $0x1;
	s10 =	sld [smem:$0x3FBA]  }
0x3d: {  	_ =	shalt  }
0x3e: {  	_ =	shalt  }
0x3f: {  	_ =	shalt  }
0x40: {  	_ =	shalt  }
0x41: {  	_ =	shalt  }
0x42: {  	_ =	shalt  }
0x43: {  	_ =	shalt  }
0x44: {  	_ =	shalt  }
0x45: {  	_ =	shalt  }
0x46: {  	_ =	shalt  }
0x47: {  	_ =	shalt  }
0x48: {  	_ =	shalt  }
0x49: {  	_ =	shalt  }
0x4a: {  	_ =	shalt  }
0x4b: {  	_ =	shalt  }
0x4c: {  	_ =	shalt  }
0x4d: {  	_ =	shalt  }
0x4e: {  	_ =	shalt  }
0x4f: {  	_ =	shalt  }
0x50: {  	_ =	shalt  }
0x51: {  	_ =	shalt  }
0x52: {  	_ =	shalt  }
0x53: {  	_ =	shalt  }
0x54: {  	_ =	shalt  }
0x55: {  	_ =	shalt  }
0x56: {  	_ =	shalt  }
0x57: {  	_ =	shalt  }
0x58: {  	_ =	shalt  }
0x59: {  	_ =	shalt  }
0x5a: {  	_ =	shalt  }
0x5b: {  	_ =	shalt  }
0x5c: {  	_ =	shalt  }
0x5d: {  	_ =	shalt  }
0x5e: {  	_ =	shalt  }
0x5f: {  	_ =	shalt  }
0x60: {  	_ =	shalt  }
0x61: {  	_ =	shalt  }
0x62: {  	_ =	shalt  }
0x63: {  	_ =	shalt  }
0x64: {  	_ =	shalt  }
0x65: {  	_ =	shalt  }
0x66: {  	_ =	shalt  }
0x67: {  	_ =	shalt  }
0x68: {  	_ =	shalt  }
0x69: {  	_ =	shalt  }
0x6a: {  	_ =	shalt  }
0x6b: {  	_ =	shalt  }
0x6c: {  	_ =	shalt  }
0x6d: {  	_ =	shalt  }
0x6e: {  	_ =	shalt  }
0x6f: {  	_ =	shalt  }
0x70: {  	_ =	shalt  }
0x71: {  	_ =	shalt  }
0x72: {  	_ =	shalt  }
0x73: {  	_ =	shalt  }
0x74: {  	_ =	shalt  }
0x75: {  	_ =	shalt  }
0x76: {  	_ =	shalt  }
0x77: {  	_ =	shalt  }
0x78: {  	_ =	shalt  }
0x79: {  	_ =	shalt  }
0x7a: {  	_ =	shalt  }
0x7b: {  	_ =	shalt  }
0x7c: {  	_ =	shalt  }
0x7d: {  	_ =	shalt  }
0x7e: {  	_ =	shalt  }
0x7f: {  	_ =	shalt  }
0x80: {  	_ =	shalt  }
0x81: {  	_ =	shalt  }
0x82: {  	_ =	shalt  }
0x83: {  	_ =	shalt  }
0x84: {  	_ =	shalt  }
0x85: {  	_ =	shalt  }
0x86: {  	_ =	shalt  }
0x87: {  	_ =	shalt  }
.Lfunc_end0:
.L_simem_size_0:
called_computation_lowered:
.L_overlay_start_0:
0x88: {  	s2 =	sld [smem:$0x3FD9]  }
0x89: {  	s3 =	sld [smem:$0x3FFE];
	_ =	sdelay $0x1  }
0x8a: {  	s1 =	srdreg.scid  }
0x8b: {  	s0 =	sand.u32 $0x1, s1  }
0x8c: {  	s17 =	sshll.u32 s0, $0xA;
	s2 =	sadd.s32 s3, s2  }
0x8d: {  	s2 =	sadd.s32 s2, s17  }
0x8e: {  	[smem:$0x3FC6] =	sst s2  }
0x8f: {  	_ = 	snop  }
0x90: {  	s2 =	sld [smem:$0x3FD0];
	(tm) =	ssettm $0x1  }
0x91: {  	s18 =	sld [smem:$0x3FFB];
	_ =	sdelay $0x3  }
0x92: {  	_ =	strace s18  }
0x93: {  	s3 =	sld [smem:$0x3FFC];
	_ =	sdelay $0x3  }
0x94: {  	_ =	strace s3  }
0x95: {  	s3 =	sld [smem:$0x3FFD];
	_ =	sdelay $0x3  }
0x96: {  	_ =	strace s3  }
0x97: {  	_ =	strace $0x8FFFFFFF  }
0x98: {  	s19 =	sld [smem:$0x3FDB];
	_ =	sdelay $0x1  }
0x99: {  	s4 =	simm.s32 $_scs_section_size  }
0x9a: {  	s5 =	simm.s32 $_size__tile_overlayer_lowered;
	s6 =	simm.s32 $_tile_overlayer_lowered  }
0x9b: {  	s22 =	simm.s32 $0x1BFF;
	s21 =	sshll.u32 s6, $0x1;
	s3 =	sadd.s32 s4, s19  }
0x9c: {  	s7 =	simm.s32 $0x0;
	s20 =	sshll.u32 s5, $0x1;
	s5 =	sadd.s32 s21, s3  }
0x9d: {  	[timem:s7], [sflag:s22] =	dma.local [hbm:s5], s20  }
0x9e: {  	_ =	swait.ge [sflag:s22], s20  }
0x9f: {  	s4 =	ssub.s32 $0x0, s20;
	[sflag:s22] =	ssyncset.done $0x0  }
0xa0: {  	[sflag:s22] =	ssyncadd.s32 s4;
	_ =	sdelay $0x1  }
0xa1: {  	s23 =	simm.s32 $0x1B8B  }
0xa2: {  	_ =	swait.ge [sflag:s23], $0x1  }
0xa3: {  	[sflag:s23] =	ssyncset.done $0x0  }
0xa4: {  	s25 =	simm.s32 $0x1B8E;
	s24 =	sld [smem:$0x3FFE];
	[sflag:s23] =	ssyncadd.s32 $0xFFFFFFFF  }
0xa5: {  	s26 =	simm.s32 $execute0_lowered;
	[smem:$0x3FD2] =	sst s25  }
0xa6: {  	s5 =	sshll.u32 s26, $0x1;
	_ =	strace $0x80000046;
	[dreg:$0x1] =	wrdreg $0xFFFFFFFF  }
0xa7: {  	s28 =	simm.s32 $_size_execute0_lowered;
	s3 =	sadd.s32 s3, s5;
	[dreg:$0x0] =	wrdreg $0x0  }
0xa8: {  	s5 =	sshll.u32 s28, $0x1;
	[dreg:$0x2] =	wrdreg s3  }
0xa9: {  	[dreg:$0x3] =	wrdreg s5  }
0xaa: {  	[dreg:$0x4] =	wrdreg $0xC0  }
0xab: {  	_ =	task [dreg:s7], $0x5FFFF  }
0xac: {  	[dreg:$0x1] =	wrdreg $0xFFFFFFFF  }
0xad: {  	[dreg:$0x0] =	wrdreg $0x60  }
0xae: {  	[dreg:$0x2] =	wrdreg s24  }
0xaf: {  	[dreg:$0x3] =	wrdreg s2  }
0xb0: {  	[dreg:$0x4] =	wrdreg $0x9  }
0xb1: {  	_ =	task.clear_ibuf [dreg:s7], $0x5FFFF;
	_ =	strace $0x90000046  }
0xb2: {  	s29 =	simm.s32 $0x9;
	_ =	strace $0x80000048  }
0xb3: {  	_ =	swait.ge [sflag:s29], $0x1  }
0xb4: {  	[sflag:s29] =	ssyncadd.s32 $0xFFFFFFFF  }
0xb5: {  	_ =	strace $0x90000048  }
0xb6: {  	_ =	sfence  }
0xb7: {  	s30 =	sld [smem:$0x0];
	_ =	sdelay $0x2  }
0xb8: {  	s31 =	sshll.u32 s1, $0xD;
	s1 =	sshrl.u32 s1, $0x2  }
0xb9: {  	s3 =	sand.u32 $0x4000, s31;
	s1 =	sadd.s32 s1, s30  }
0xba: {  	s0 =	sor.u32 s3, s0;
	s1 =	sshll.u32 s1, $0x11  }
0xbb: {  	s0 =	sor.u32 s1, s0  }
0xbc: {  	s0 =	sadd.s32 $0x8F2B, s0  }
0xbd: {  	[sflag:s0] =	ssyncadd.remote.s32 $0x1  }
0xbe: {  	_ =	sfence.sel $0xFFFF  }
0xbf: {  	[dreg:$0x0] =	wrdreg $0xFFFFFFFF;
	(pc) =	sbr.abs _section_cstart, $3  }
0xc0: {  	[dreg:$0x1] =	wrdreg $0xFFFFFFFF  }
0xc1: {  	_ =	task.clear_ibuf [dreg:s7], $0x2FFFF;
	_ =	strace $0x9FFFFFFF  }
0xc2: {  	(tm) =	ssettm $0x7FFFFFFF  }
0xc3: {  	_ =	shalt  }
tec
execute0_lowered:
.L_overlay_start_1:
0x0: {  	(tag) =	ssettag $0x1  }
0x1: {  	v0 =	vimm.s32 $0x14B8  }
0x2: {  	vm0 =	vcmask $0x300;
	v1 =	vimm.s32 $0x36B8;
	vm1 =	vcmask $0x704  }
0x3: {  	vm15 =	vcmask $0xB08;
	v0 =	vsel vm0, $0x0, v0;
	v1 =	vsel vm0, $0x2200, v1  }
0x4: {  	s0 =	srdreg.scid;
	s13 =	rddreg [dreg:$0x0];
	vm4 =	vcmask $0xF0C;
	v0 =	vsel vm1, $0x88, v0;
	v1 =	vsel vm1, $0x2288, v1  }
0x5: {  	s1 =	stileid.u32;
	s2 =	rddreg [dreg:$0x1];
	s3 =	simm.s32 $0x0;
	vm5 =	vcmask $0x1310;
	v0 =	vsel vm15, $0x110, v0;
	v1 =	vsel vm15, $0x2310, v1  }
0x6: {  	vm6 =	vcmask $0x1714;
	s14 =	simm.s32 $0x1;
	s15 =	simm.s32 $0x200;
	s17 =	simm.s32 $0x3;
	v0 =	vsel vm4, $0x198, v0;
	v1 =	vsel vm4, $0x2398, v1  }
0x7: {  	vm7 =	vcmask $0x1B18;
	s18 =	simm.s32 $0x2;
	s19 =	simm.s32 $0x4400;
	s20 =	simm.s32 $0x8400;
	v0 =	vsel vm5, $0x220, v0;
	v1 =	vsel vm5, $0x2420, v1  }
0x8: {  	vm8 =	vcmask $0x1F1C;
	s21 =	simm.s32 $0x4;
	s22 =	simm.s32 $0xC800;
	s23 =	simm.s32 $0x5;
	v0 =	vsel vm6, $0x2A8, v0;
	v1 =	vsel vm6, $0x24A8, v1  }
0x9: {  	vm9 =	vcmask $0x2320;
	s24 =	simm.s32 $0x6;
	s0 =	sand.u32 $0x1, s0;
	s1 =	sshll.u32 s1, $0x1;
	v0 =	vsel vm7, $0x330, v0;
	v1 =	vsel vm7, $0x2530, v1  }
0xa: {  	vm10 =	vcmask $0x2724;
	s25 =	simm.s32 $0x0;
	[smem:$0x7FF] =	sst s3;
	s1 =	sor.u32 s0, s1;
	v0 =	vsel vm8, $0x3B8, v0;
	v1 =	vsel vm8, $0x25B8, v1  }
0xb: {  	vm11 =	vcmask $0x2B28;
	s8 =	sadd.s32 $0x1000, s2;
	s9 =	sadd.s32 $0x2000, s2;
	s4 =	smul.u32 $0x6400, s1;
	v0 =	vsel vm9, $0x1100, v0;
	v1 =	vsel vm9, $0x3300, v1  }
0xc: {  	s10 =	sadd.s32 $0x3D0E80, s13;
	s11 =	sadd.s32 $0x3000, s2;
	s5 =	sshll.u32 s1, $0xA;
	v0 =	vsel vm10, $0x1188, v0;
	v1 =	vsel vm10, $0x3388, v1  }
0xd: {  	vm12 =	vcmask $0x2F2C;
	s0 =	ssub.s32 $0x2, s0;
	s5 =	sand.u32 $0xC00, s5;
	s4 =	sand.u32 $0xFF000, s4;
	v0 =	vsel vm11, $0x1210, v0;
	v1 =	vsel vm11, $0x3410, v1  }
0xe: {  	vm13 =	vcmask $0x3330;
	_ =	strace $0x80000047;
	s31 =	sshrl.u32 s0, $0x1;
	s4 =	sor.u32 s5, s4;
	v0 =	vsel vm12, $0x1298, v0;
	v1 =	vsel vm12, $0x3498, v1  }
0xf: {  	vm14 =	vcmask $0x3734;
	s0 =	ssub.s32 s0, s31;
	s5 =	sshrl.u32 s4, $0x3;
	s4 =	sadd.s32 $0x1313200, s13;
	v0 =	vsel vm13, $0x1320, v0;
	v1 =	vsel vm13, $0x3520, v1  }
0x10: {  	vm15 =	vcmask $0x3B38;
	s7 =	sadd.s32 s5, s13;
	s5 =	smul.u32 $0x32, s1;
	s13 =	sadd.s32 $0x3D0EC0, s13;
	v0 =	vsel vm14, $0x13A8, v0;
	v1 =	vsel vm14, $0x35A8, v1  }
0x11: {  	s12 =	smax.u32 s0, $0x1;
	s6 =	sadd.s32 $0x3D0E00, s7;
	s7 =	sadd.s32 $0x3D0E40, s7;
	v0 =	vsel vm15, $0x1430, v0;
	v1 =	vsel vm15, $0x3630, v1  }
.LBB2_1:
0x12: {  	[tilespmem:s3], [sflag:$0x1] =	stream.linear.gather [hbm4b:s6+s3], $0x200, $0x38;
	[tilespmem:$0x10C00] =	vst v63  }
0x13: {  	_ =	swait.ge [sflag:s14], $0x200  }
0x14: {  	[sflag:s14] =	ssyncset.done $0x0  }
0x15: {  	[sflag:s14] =	ssyncadd.s32 $0xFFFFFE00  }
0x16: {  	[tilespmem:s15], [sflag:$0x2] =	stream.linear.gather [hbm4b:s7+s3], $0x200, $0x38;
	[tilespmem:$0x10C00] =	vst v63  }
0x17: {  	s0 =	simm.s32 $0x400;
	s26 =	simm.s32 $0x0  }
0x18: {  	[tilespmem:s0], [sflag:$0x3] =	stream.indirect.gather [hbm4b:s4+s15], $0x20, s3, s15, $0xb8;
	[tilespmem:$0x10C00] =	vst v63  }
.LBB2_2:
0x19: {  	s0 =	sshll.u32 s26, $0x1  }
0x1a: {  	_ =	swait.ge [sflag:s17], $0x4000;
	p0 =	seq.s32 s26, $0x18;
	s28 =	sadd.s32 s5, s0  }
0x1b: {  	[sflag:s17] =	ssyncset.done $0x0;
	s29 =	sshll.u32 @!p0 s28, $0x6  }
0x1c: {  	s1 =	simm.s32 @!p0 $0x0;
	[sflag:s17] =	ssyncadd.s32 $0xFFFFC000;
	s0 =	sadd.s32 @!p0 s10, s29  }
0x1d: {  	[tilespmem:s1], [sflag:$0x1] =	stream.linear.gather @!p0 [hbm4b:s0+s1], $0x200, $0x38;
	[tilespmem:$0x10C00] =	vst v63  }
0x1e: {  	_ =	swait.ge [sflag:s18], $0x200  }
0x1f: {  	p1 =	seq.s32 s26, $0x0;
	[sflag:s18] =	ssyncset.done $0x0  }
0x20: {  	s0 =	simm.s32 @!p1 $0x5;
	[sflag:s18] =	ssyncadd.s32 $0xFFFFFE00  }
0x21: {  	[tilespmem:s19], [sflag:$0x4] =	stream.indirect.gather [hbm4b:s4+s15], $0x20, s15, s15, $0xb8;
	[tilespmem:$0x10C00] =	vst v63  }
0x22: {  	_ =	swait.ge @!p1 [sflag:s0], $0x1000  }
0x23: {  	[sflag:s0] =	ssyncset.done @!p1 $0x0  }
0x24: {  	[sflag:s0] =	ssyncadd.s32 @!p1 $0xFFFFF000  }
0x25: {  	_ =	swait.ge @!p1 [sflag:s0], $0x1000  }
0x26: {  	[sflag:s0] =	ssyncset.done @!p1 $0x0  }
0x27: {  	[sflag:s0] =	ssyncadd.s32 @!p1 $0xFFFFF000  }
0x28: {  	_ =	swait.ge @!p1 [sflag:s0], $0x1000  }
0x29: {  	[sflag:s0] =	ssyncset.done @!p1 $0x0  }
0x2a: {  	[sflag:s0] =	ssyncadd.s32 @!p1 $0xFFFFF000  }
0x2b: {  	_ =	swait.ge @!p1 [sflag:s0], $0x1000  }
0x2c: {  	[sflag:s0] =	ssyncset.done @!p1 $0x0  }
0x2d: {  	s30 =	simm.s32 $0x480;
	[sflag:s0] =	ssyncadd.s32 @!p1 $0xFFFFF000  }
0x2e: {  	v2 =	vld [tilespmem:s30+$0x70]  }
0x2f: {  	v4 =	vld [tilespmem:s30+$0x60]  }
0x30: {  	s31 =	simm.s32 $0x0;
	v3 =	vld [tilespmem:s30+$0x50]  }
0x31: {  	s16 =	sand.u32 $0x78, s31;
	s1 =	simm.s32 $0x0;
	v5 =	vld [tilespmem:s30+$0x40]  }
0x32: {  	v8 =	vmov s16;
	v7 =	vmov s1;
	v6 =	vld [tilespmem:s30+$0x30]  }
0x33: {  	v8 =	vshrl.u32 v8, $0x3;
	v7 =	vmul.u32 $0x440, v7;
	v9 =	vld [tilespmem:s30+$0x20]  }
0x34: {  	v8 =	vshll.u32 v8, $0x3;
	v10 =	vld [tilespmem:s30+$0x10]  }
0x35: {  	v8 =	vbroadcast v8, $0x0;
	v7 =	vbroadcast v7, $0x0;
	v11 =	vld [tilespmem:s30+$0x0]  }
0x36: {  	v12 =	vld [tilespmem:s30+$0xFFFFFFF0]  }
0x37: {  	v7 =	vadd.s32 v8, v7;
	v13 =	vld [tilespmem:s30+$0xFFFFFFE0]  }
0x38: {  	v15 =	vadd.s32 v0, v7;
	v53 =	vld [tilespmem:s30+$0xFFFFFF80]  }
0x39: {  	v7 =	vadd.s32 v1, v7;
	v16 =	vld [tilespmem:s30+$0xFFFFFF90]  }
0x3a: {  	v18 =	vor.u32 $0x1, v15;
	v17 =	vld [tilespmem:s30+$0xFFFFFFA0]  }
0x3b: {  	v20 =	vor.u32 $0x1, v7;
	v19 =	vld [tilespmem:s30+$0xFFFFFFB0]  }
0x3c: {  	v22 =	vor.u32 $0x2, v15;
	v21 =	vld [tilespmem:s30+$0xFFFFFFC0]  }
0x3d: {  	v54 =	vor.u32 $0x2, v7;
	v14 =	vld [tilespmem:s30+$0xFFFFFFD0];
	[tilespmem:v15+s20+$0x0] =	vst.idx.msk $0xffff, v53  }
0x3e: {  	v55 =	vor.u32 $0x3, v15;
	[tilespmem:v7+s20+$0x0] =	vst.idx.msk $0xffff, v16  }
0x3f: {  	v56 =	vor.u32 $0x3, v7;
	[tilespmem:v18+s20+$0x0] =	vst.idx.msk $0xffff, v17  }
0x40: {  	v57 =	vor.u32 $0x4, v15;
	[tilespmem:v20+s20+$0x0] =	vst.idx.msk $0xffff, v19  }
0x41: {  	v58 =	vor.u32 $0x4, v7;
	[tilespmem:v22+s20+$0x0] =	vst.idx.msk $0xffff, v21  }
0x42: {  	v59 =	vor.u32 $0x5, v15;
	[tilespmem:v54+s20+$0x0] =	vst.idx.msk $0xffff, v14  }
0x43: {  	v60 =	vor.u32 $0x5, v7;
	[tilespmem:v55+s20+$0x0] =	vst.idx.msk $0xffff, v13  }
0x44: {  	v61 =	vor.u32 $0x6, v15;
	[tilespmem:v56+s20+$0x0] =	vst.idx.msk $0xffff, v12  }
0x45: {  	v62 =	vor.u32 $0x6, v7;
	[tilespmem:v57+s20+$0x0] =	vst.idx.msk $0xffff, v11  }
0x46: {  	[tilespmem:v58+s20+$0x0] =	vst.idx.msk $0xffff, v10  }
0x47: {  	[tilespmem:v59+s20+$0x0] =	vst.idx.msk $0xffff, v9  }
0x48: {  	[tilespmem:v60+s20+$0x0] =	vst.idx.msk $0xffff, v6  }
0x49: {  	v63 =	vor.u32 $0x7, v15;
	[tilespmem:v61+s20+$0x0] =	vst.idx.msk $0xffff, v5  }
0x4a: {  	[tilespmem:v62+s20+$0x0] =	vst.idx.msk $0xffff, v3;
	v3 =	vor.u32 $0x7, v7;
	_ =	sdelay $0x3  }
0x4b: {  	s1 =	simm.s32 $0x1;
	[tilespmem:v63+s20+$0x0] =	vst.idx.msk $0xffff, v4  }
.LBB2_3:
0x4c: {  	p1 =	sne.s32 s1, $0x3F;
	[tilespmem:v3+s20+$0x0] =	vst.idx.msk $0xffff, v2;
	s31 =	sadd.s32 $0x8, s31;
	s30 =	sadd.s32 $0x100, s30  }
0x4d: {  	s0 =	smov.u32 s1;
	s1 =	sadd.s32 $0x1, s1;
	v2 =	vld [tilespmem:s30+$0x70]  }
0x4e: {  	v4 =	vld [tilespmem:s30+$0x60]  }
0x4f: {  	v5 =	vld [tilespmem:s30+$0x50]  }
0x50: {  	v6 =	vld [tilespmem:s30+$0x40]  }
0x51: {  	s0 =	sshrl.u32 s0, $0x4;
	s16 =	sand.u32 $0x78, s31;
	v7 =	vld [tilespmem:s30+$0x30]  }
0x52: {  	v3 =	vmov s0;
	v8 =	vmov s16;
	v9 =	vld [tilespmem:s30+$0x20]  }
0x53: {  	v8 =	vshrl.u32 v8, $0x3;
	v3 =	vmul.u32 $0x440, v3;
	v10 =	vld [tilespmem:s30+$0x10]  }
0x54: {  	v8 =	vshll.u32 v8, $0x3;
	v11 =	vld [tilespmem:s30+$0x0]  }
0x55: {  	v3 =	vbroadcast v3, $0x0;
	v8 =	vbroadcast v8, $0x0;
	v12 =	vld [tilespmem:s30+$0xFFFFFFF0]  }
0x56: {  	v13 =	vld [tilespmem:s30+$0xFFFFFFE0]  }
0x57: {  	v3 =	vadd.s32 v8, v3;
	v14 =	vld [tilespmem:s30+$0xFFFFFFD0]  }
0x58: {  	v15 =	vadd.s32 v0, v3;
	v8 =	vld [tilespmem:s30+$0xFFFFFF80]  }
0x59: {  	v3 =	vadd.s32 v1, v3;
	v16 =	vld [tilespmem:s30+$0xFFFFFF90]  }
0x5a: {  	v18 =	vor.u32 $0x1, v15;
	v17 =	vld [tilespmem:s30+$0xFFFFFFA0]  }
0x5b: {  	v20 =	vor.u32 $0x1, v3;
	v19 =	vld [tilespmem:s30+$0xFFFFFFB0]  }
0x5c: {  	v22 =	vor.u32 $0x2, v15;
	v21 =	vld [tilespmem:s30+$0xFFFFFFC0]  }
0x5d: {  	[tilespmem:v15+s20+$0x0] =	vst.idx.msk $0xffff, v8;
	v8 =	vor.u32 $0x2, v3  }
0x5e: {  	[tilespmem:v3+s20+$0x0] =	vst.idx.msk $0xffff, v16;
	v16 =	vor.u32 $0x3, v15  }
0x5f: {  	[tilespmem:v18+s20+$0x0] =	vst.idx.msk $0xffff, v17;
	v17 =	vor.u32 $0x3, v3  }
0x60: {  	v18 =	vor.u32 $0x4, v15;
	[tilespmem:v20+s20+$0x0] =	vst.idx.msk $0xffff, v19  }
0x61: {  	v19 =	vor.u32 $0x4, v3;
	[tilespmem:v22+s20+$0x0] =	vst.idx.msk $0xffff, v21  }
0x62: {  	[tilespmem:v8+s20+$0x0] =	vst.idx.msk $0xffff, v14;
	v8 =	vor.u32 $0x5, v15  }
0x63: {  	[tilespmem:v16+s20+$0x0] =	vst.idx.msk $0xffff, v13;
	v13 =	vor.u32 $0x5, v3  }
0x64: {  	[tilespmem:v17+s20+$0x0] =	vst.idx.msk $0xffff, v12;
	v12 =	vor.u32 $0x6, v15  }
0x65: {  	[tilespmem:v18+s20+$0x0] =	vst.idx.msk $0xffff, v11;
	v11 =	vor.u32 $0x6, v3  }
0x66: {  	[tilespmem:v19+s20+$0x0] =	vst.idx.msk $0xffff, v10;
	v10 =	vor.u32 $0x7, v15  }
.Ltmp0:
0x67: {  	v3 =	vor.u32 $0x7, v3;
	[tilespmem:v8+s20+$0x0] =	vst.idx.msk $0xffff, v9;
	(pc) =	sbr.rel @p1 .LBB2_3-.Ltmp0, $4  }
0x68: {  	[tilespmem:v13+s20+$0x0] =	vst.idx.msk $0xffff, v7  }
0x69: {  	[tilespmem:v12+s20+$0x0] =	vst.idx.msk $0xffff, v6  }
0x6a: {  	[tilespmem:v11+s20+$0x0] =	vst.idx.msk $0xffff, v5  }
0x6b: {  	[tilespmem:v10+s20+$0x0] =	vst.idx.msk $0xffff, v4  }
0x6c: {  	s0 =	sshll.u32 s28, $0xC;
	s1 =	sshll.u32 s28, $0xE  }
0x6d: {  	s0 =	sand.u32 $0x6000, s0;
	s1 =	sand.u32 $0x7FFE0000, s1  }
0x6e: {  	s0 =	sor.u32 s0, s1  }
0x6f: {  	s28 =	sshrl.u32 s0, $0x3  }
0x70: {  	s30 =	simm.s32 $0x8400;
	s1 =	sadd.s32 s2, s28  }
0x71: {  	[tilespmem:v3+s20+$0x0] =	vst.idx.msk $0xffff, v2;
	s31 =	simm.s32 $0x10;
	s0 =	simm.s32 $0x8488;
	s16 =	sadd.s32 $0x0, s1  }
.LBB2_5:
0x72: {  	[hbm4b:s16+s3] =	stream.linear.scatter [tilespmem:s30], [sflag:$0x5], $0x80, $0x38;
	[tilespmem:$0x10C00] =	vst v63  }
0x73: {  	s16 =	smov.u32 s31;
	s30 =	smov.u32 s0;
	p1 =	sne.s32 s31, $0x1F0  }
.Ltmp1:
0x74: {  	s31 =	sadd.s32 $0x10, s31;
	(pc) =	sbr.rel @p1 .LBB2_5-.Ltmp1, $2  }
0x75: {  	_ =	sdelay $0x2  }
0x76: {  	s0 =	sadd.s32 $0x88, s0;
	s16 =	sadd.s32 s16, s1  }
0x77: {  	[hbm4b:s16+s3] =	stream.linear.scatter [tilespmem:s30], [sflag:$0x5], $0x80, $0x38;
	[tilespmem:$0x10C00] =	vst v63  }
0x78: {  	s1 =	sadd.s32 s28, s8;
	s30 =	simm.s32 $0x9500  }
0x79: {  	s31 =	simm.s32 $0x10;
	s0 =	simm.s32 $0x9588;
	s16 =	sadd.s32 $0x0, s1  }
.LBB2_7:
0x7a: {  	[hbm4b:s16+s3] =	stream.linear.scatter [tilespmem:s30], [sflag:$0x5], $0x80, $0x38;
	[tilespmem:$0x10C00] =	vst v63  }
0x7b: {  	s16 =	smov.u32 s31;
	s30 =	smov.u32 s0;
	p1 =	sne.s32 s31, $0x1F0  }
.Ltmp2:
0x7c: {  	s31 =	sadd.s32 $0x10, s31;
	(pc) =	sbr.rel @p1 .LBB2_7-.Ltmp2, $2  }
0x7d: {  	_ =	sdelay $0x2  }
0x7e: {  	s0 =	sadd.s32 $0x88, s0;
	s16 =	sadd.s32 s16, s1  }
0x7f: {  	[hbm4b:s16+s3] =	stream.linear.scatter [tilespmem:s30], [sflag:$0x5], $0x80, $0x38;
	[tilespmem:$0x10C00] =	vst v63  }
0x80: {  	s1 =	sadd.s32 s28, s9;
	s30 =	simm.s32 $0xA600  }
0x81: {  	s31 =	simm.s32 $0x10;
	s0 =	simm.s32 $0xA688;
	s16 =	sadd.s32 $0x0, s1  }
.LBB2_9:
0x82: {  	[hbm4b:s16+s3] =	stream.linear.scatter [tilespmem:s30], [sflag:$0x5], $0x80, $0x38;
	[tilespmem:$0x10C00] =	vst v63  }
0x83: {  	s16 =	smov.u32 s31;
	s30 =	smov.u32 s0;
	p1 =	sne.s32 s31, $0x1F0  }
.Ltmp3:
0x84: {  	s31 =	sadd.s32 $0x10, s31;
	(pc) =	sbr.rel @p1 .LBB2_9-.Ltmp3, $2  }
0x85: {  	_ =	sdelay $0x2  }
0x86: {  	s0 =	sadd.s32 $0x88, s0;
	s16 =	sadd.s32 s16, s1  }
0x87: {  	[hbm4b:s16+s3] =	stream.linear.scatter [tilespmem:s30], [sflag:$0x5], $0x80, $0x38;
	[tilespmem:$0x10C00] =	vst v63  }
0x88: {  	s1 =	sadd.s32 s28, s11;
	s30 =	simm.s32 $0xB700  }
0x89: {  	s31 =	simm.s32 $0x10;
	s0 =	simm.s32 $0xB788;
	s16 =	sadd.s32 $0x0, s1  }
.LBB2_11:
0x8a: {  	[hbm4b:s16+s3] =	stream.linear.scatter [tilespmem:s30], [sflag:$0x5], $0x80, $0x38;
	[tilespmem:$0x10C00] =	vst v63  }
0x8b: {  	s16 =	smov.u32 s31;
	s30 =	smov.u32 s0;
	p1 =	sne.s32 s31, $0x1F0  }
.Ltmp4:
0x8c: {  	s31 =	sadd.s32 $0x10, s31;
	(pc) =	sbr.rel @p1 .LBB2_11-.Ltmp4, $2  }
0x8d: {  	_ =	sdelay $0x2  }
0x8e: {  	s0 =	sadd.s32 $0x88, s0;
	s16 =	sadd.s32 s16, s1  }
0x8f: {  	[hbm4b:s16+s3] =	stream.linear.scatter [tilespmem:s30], [sflag:$0x5], $0x80, $0x38;
	[tilespmem:$0x10C00] =	vst v63  }
0x90: {  	_ =	swait.ge [sflag:s21], $0x4000  }
0x91: {  	s0 =	sadd.s32 @!p0 s13, s29;
	[sflag:s21] =	ssyncset.done $0x0  }
0x92: {  	s1 =	simm.s32 @!p0 $0x0;
	s16 =	simm.s32 @!p0 $0x200;
	[sflag:s21] =	ssyncadd.s32 $0xFFFFC000  }
0x93: {  	[tilespmem:s16], [sflag:$0x2] =	stream.linear.gather @!p0 [hbm4b:s0+s1], $0x200, $0x38;
	[tilespmem:$0x10C00] =	vst v63  }
0x94: {  	s0 =	simm.s32 @!p0 $0x1  }
0x95: {  	_ =	swait.ge @!p0 [sflag:s0], $0x200  }
0x96: {  	[sflag:s0] =	ssyncset.done @!p0 $0x0  }
0x97: {  	p1 =	seq.s32 @!p0 s26, $0x0;
	[sflag:s0] =	ssyncadd.s32 @!p0 $0xFFFFFE00;
	s0 =	simm.s32 @!p0 $0x400  }
0x98: {  	[tilespmem:s0], [sflag:$0x3] =	stream.indirect.gather @!p0 [hbm4b:s4+s16], $0x20, s1, s16, $0xb8;
	[tilespmem:$0x10C00] =	vst v63  }
0x99: {  	p0 =	por p0, !p1  }
0x9a: {  	_ =	swait.ge @p0 [sflag:s24], $0x1000  }
0x9b: {  	[sflag:s24] =	ssyncset.done @p0 $0x0  }
0x9c: {  	[sflag:s24] =	ssyncadd.s32 @p0 $0xFFFFF000  }
0x9d: {  	_ =	swait.ge @p0 [sflag:s24], $0x1000  }
0x9e: {  	[sflag:s24] =	ssyncset.done @p0 $0x0  }
0x9f: {  	[sflag:s24] =	ssyncadd.s32 @p0 $0xFFFFF000  }
0xa0: {  	_ =	swait.ge @p0 [sflag:s24], $0x1000  }
0xa1: {  	[sflag:s24] =	ssyncset.done @p0 $0x0  }
0xa2: {  	[sflag:s24] =	ssyncadd.s32 @p0 $0xFFFFF000  }
0xa3: {  	_ =	swait.ge @p0 [sflag:s24], $0x1000  }
0xa4: {  	[sflag:s24] =	ssyncset.done @p0 $0x0  }
0xa5: {  	s29 =	simm.s32 $0x4480;
	[sflag:s24] =	ssyncadd.s32 @p0 $0xFFFFF000  }
0xa6: {  	v2 =	vld [tilespmem:s29+$0x70]  }
0xa7: {  	v4 =	vld [tilespmem:s29+$0x60]  }
0xa8: {  	s30 =	simm.s32 $0x0;
	v3 =	vld [tilespmem:s29+$0x50]  }
0xa9: {  	s31 =	sand.u32 $0x78, s30;
	s16 =	simm.s32 $0x0;
	v5 =	vld [tilespmem:s29+$0x40]  }
0xaa: {  	v8 =	vmov s31;
	v7 =	vmov s16;
	v6 =	vld [tilespmem:s29+$0x30]  }
0xab: {  	v8 =	vshrl.u32 v8, $0x3;
	v7 =	vmul.u32 $0x440, v7;
	v9 =	vld [tilespmem:s29+$0x20]  }
0xac: {  	v8 =	vshll.u32 v8, $0x3;
	v10 =	vld [tilespmem:s29+$0x10]  }
0xad: {  	v8 =	vbroadcast v8, $0x0;
	v7 =	vbroadcast v7, $0x0;
	v11 =	vld [tilespmem:s29+$0x0]  }
0xae: {  	v12 =	vld [tilespmem:s29+$0xFFFFFFF0]  }
0xaf: {  	v7 =	vadd.s32 v8, v7;
	v13 =	vld [tilespmem:s29+$0xFFFFFFE0]  }
0xb0: {  	v15 =	vadd.s32 v0, v7;
	v53 =	vld [tilespmem:s29+$0xFFFFFF80]  }
0xb1: {  	v7 =	vadd.s32 v1, v7;
	v16 =	vld [tilespmem:s29+$0xFFFFFF90]  }
0xb2: {  	v18 =	vor.u32 $0x1, v15;
	v17 =	vld [tilespmem:s29+$0xFFFFFFA0]  }
0xb3: {  	v20 =	vor.u32 $0x1, v7;
	v19 =	vld [tilespmem:s29+$0xFFFFFFB0]  }
0xb4: {  	v22 =	vor.u32 $0x2, v15;
	v21 =	vld [tilespmem:s29+$0xFFFFFFC0]  }
0xb5: {  	v54 =	vor.u32 $0x2, v7;
	v14 =	vld [tilespmem:s29+$0xFFFFFFD0];
	[tilespmem:v15+s22+$0x0] =	vst.idx.msk $0xffff, v53  }
0xb6: {  	v55 =	vor.u32 $0x3, v15;
	[tilespmem:v7+s22+$0x0] =	vst.idx.msk $0xffff, v16  }
0xb7: {  	v56 =	vor.u32 $0x3, v7;
	[tilespmem:v18+s22+$0x0] =	vst.idx.msk $0xffff, v17  }
0xb8: {  	v57 =	vor.u32 $0x4, v15;
	[tilespmem:v20+s22+$0x0] =	vst.idx.msk $0xffff, v19  }
0xb9: {  	v58 =	vor.u32 $0x4, v7;
	[tilespmem:v22+s22+$0x0] =	vst.idx.msk $0xffff, v21  }
0xba: {  	v59 =	vor.u32 $0x5, v15;
	[tilespmem:v54+s22+$0x0] =	vst.idx.msk $0xffff, v14  }
0xbb: {  	v60 =	vor.u32 $0x5, v7;
	[tilespmem:v55+s22+$0x0] =	vst.idx.msk $0xffff, v13  }
0xbc: {  	v61 =	vor.u32 $0x6, v15;
	[tilespmem:v56+s22+$0x0] =	vst.idx.msk $0xffff, v12  }
0xbd: {  	v62 =	vor.u32 $0x6, v7;
	[tilespmem:v57+s22+$0x0] =	vst.idx.msk $0xffff, v11  }
0xbe: {  	[tilespmem:v58+s22+$0x0] =	vst.idx.msk $0xffff, v10  }
0xbf: {  	[tilespmem:v59+s22+$0x0] =	vst.idx.msk $0xffff, v9  }
0xc0: {  	[tilespmem:v60+s22+$0x0] =	vst.idx.msk $0xffff, v6  }
0xc1: {  	v63 =	vor.u32 $0x7, v15;
	[tilespmem:v61+s22+$0x0] =	vst.idx.msk $0xffff, v5  }
0xc2: {  	[tilespmem:v62+s22+$0x0] =	vst.idx.msk $0xffff, v3;
	v3 =	vor.u32 $0x7, v7;
	_ =	sdelay $0x3  }
0xc3: {  	s1 =	simm.s32 $0x1;
	[tilespmem:v63+s22+$0x0] =	vst.idx.msk $0xffff, v4  }
.LBB2_13:
0xc4: {  	p0 =	sne.s32 s1, $0x3F;
	[tilespmem:v3+s22+$0x0] =	vst.idx.msk $0xffff, v2;
	s30 =	sadd.s32 $0x8, s30;
	s29 =	sadd.s32 $0x100, s29  }
0xc5: {  	s0 =	smov.u32 s1;
	s1 =	sadd.s32 $0x1, s1;
	v2 =	vld [tilespmem:s29+$0x70]  }
0xc6: {  	v4 =	vld [tilespmem:s29+$0x60]  }
0xc7: {  	v5 =	vld [tilespmem:s29+$0x50]  }
0xc8: {  	v6 =	vld [tilespmem:s29+$0x40]  }
0xc9: {  	s0 =	sshrl.u32 s0, $0x4;
	s16 =	sand.u32 $0x78, s30;
	v7 =	vld [tilespmem:s29+$0x30]  }
0xca: {  	v3 =	vmov s0;
	v8 =	vmov s16;
	v9 =	vld [tilespmem:s29+$0x20]  }
0xcb: {  	v8 =	vshrl.u32 v8, $0x3;
	v3 =	vmul.u32 $0x440, v3;
	v10 =	vld [tilespmem:s29+$0x10]  }
0xcc: {  	v8 =	vshll.u32 v8, $0x3;
	v11 =	vld [tilespmem:s29+$0x0]  }
0xcd: {  	v3 =	vbroadcast v3, $0x0;
	v8 =	vbroadcast v8, $0x0;
	v12 =	vld [tilespmem:s29+$0xFFFFFFF0]  }
0xce: {  	v13 =	vld [tilespmem:s29+$0xFFFFFFE0]  }
0xcf: {  	v3 =	vadd.s32 v8, v3;
	v14 =	vld [tilespmem:s29+$0xFFFFFFD0]  }
0xd0: {  	v15 =	vadd.s32 v0, v3;
	v8 =	vld [tilespmem:s29+$0xFFFFFF80]  }
0xd1: {  	v3 =	vadd.s32 v1, v3;
	v16 =	vld [tilespmem:s29+$0xFFFFFF90]  }
0xd2: {  	v18 =	vor.u32 $0x1, v15;
	v17 =	vld [tilespmem:s29+$0xFFFFFFA0]  }
0xd3: {  	v20 =	vor.u32 $0x1, v3;
	v19 =	vld [tilespmem:s29+$0xFFFFFFB0]  }
0xd4: {  	v22 =	vor.u32 $0x2, v15;
	v21 =	vld [tilespmem:s29+$0xFFFFFFC0]  }
0xd5: {  	[tilespmem:v15+s22+$0x0] =	vst.idx.msk $0xffff, v8;
	v8 =	vor.u32 $0x2, v3  }
0xd6: {  	[tilespmem:v3+s22+$0x0] =	vst.idx.msk $0xffff, v16;
	v16 =	vor.u32 $0x3, v15  }
0xd7: {  	[tilespmem:v18+s22+$0x0] =	vst.idx.msk $0xffff, v17;
	v17 =	vor.u32 $0x3, v3  }
0xd8: {  	v18 =	vor.u32 $0x4, v15;
	[tilespmem:v20+s22+$0x0] =	vst.idx.msk $0xffff, v19  }
0xd9: {  	v19 =	vor.u32 $0x4, v3;
	[tilespmem:v22+s22+$0x0] =	vst.idx.msk $0xffff, v21  }
0xda: {  	[tilespmem:v8+s22+$0x0] =	vst.idx.msk $0xffff, v14;
	v8 =	vor.u32 $0x5, v15  }
0xdb: {  	[tilespmem:v16+s22+$0x0] =	vst.idx.msk $0xffff, v13;
	v13 =	vor.u32 $0x5, v3  }
0xdc: {  	[tilespmem:v17+s22+$0x0] =	vst.idx.msk $0xffff, v12;
	v12 =	vor.u32 $0x6, v15  }
0xdd: {  	[tilespmem:v18+s22+$0x0] =	vst.idx.msk $0xffff, v11;
	v11 =	vor.u32 $0x6, v3  }
0xde: {  	[tilespmem:v19+s22+$0x0] =	vst.idx.msk $0xffff, v10;
	v10 =	vor.u32 $0x7, v15  }
.Ltmp5:
0xdf: {  	v3 =	vor.u32 $0x7, v3;
	[tilespmem:v8+s22+$0x0] =	vst.idx.msk $0xffff, v9;
	(pc) =	sbr.rel @p0 .LBB2_13-.Ltmp5, $4  }
0xe0: {  	[tilespmem:v13+s22+$0x0] =	vst.idx.msk $0xffff, v7  }
0xe1: {  	[tilespmem:v12+s22+$0x0] =	vst.idx.msk $0xffff, v6  }
0xe2: {  	[tilespmem:v11+s22+$0x0] =	vst.idx.msk $0xffff, v5  }
0xe3: {  	[tilespmem:v10+s22+$0x0] =	vst.idx.msk $0xffff, v4  }
0xe4: {  	_ =	sdelay $0x1  }
0xe5: {  	s1 =	sor.u32 $0x200, s28  }
0xe6: {  	s29 =	simm.s32 $0xC800;
	s28 =	sadd.s32 s2, s1  }
0xe7: {  	[tilespmem:v3+s22+$0x0] =	vst.idx.msk $0xffff, v2;
	s30 =	simm.s32 $0x10;
	s0 =	simm.s32 $0xC888;
	s16 =	sadd.s32 $0x0, s28  }
.LBB2_15:
0xe8: {  	[hbm4b:s16+s3] =	stream.linear.scatter [tilespmem:s29], [sflag:$0x6], $0x80, $0x38;
	[tilespmem:$0x10C00] =	vst v63  }
0xe9: {  	s16 =	smov.u32 s30;
	s29 =	smov.u32 s0;
	p0 =	sne.s32 s30, $0x1F0  }
.Ltmp6:
0xea: {  	s30 =	sadd.s32 $0x10, s30;
	(pc) =	sbr.rel @p0 .LBB2_15-.Ltmp6, $2  }
0xeb: {  	_ =	sdelay $0x2  }
0xec: {  	s0 =	sadd.s32 $0x88, s0;
	s16 =	sadd.s32 s16, s28  }
0xed: {  	[hbm4b:s16+s3] =	stream.linear.scatter [tilespmem:s29], [sflag:$0x6], $0x80, $0x38;
	[tilespmem:$0x10C00] =	vst v63  }
0xee: {  	s28 =	sadd.s32 s1, s8;
	s29 =	simm.s32 $0xD900  }
0xef: {  	s30 =	simm.s32 $0x10;
	s0 =	simm.s32 $0xD988;
	s16 =	sadd.s32 $0x0, s28  }
.LBB2_17:
0xf0: {  	[hbm4b:s16+s3] =	stream.linear.scatter [tilespmem:s29], [sflag:$0x6], $0x80, $0x38;
	[tilespmem:$0x10C00] =	vst v63  }
0xf1: {  	s16 =	smov.u32 s30;
	s29 =	smov.u32 s0;
	p0 =	sne.s32 s30, $0x1F0  }
.Ltmp7:
0xf2: {  	s30 =	sadd.s32 $0x10, s30;
	(pc) =	sbr.rel @p0 .LBB2_17-.Ltmp7, $2  }
0xf3: {  	_ =	sdelay $0x2  }
0xf4: {  	s0 =	sadd.s32 $0x88, s0;
	s16 =	sadd.s32 s16, s28  }
0xf5: {  	[hbm4b:s16+s3] =	stream.linear.scatter [tilespmem:s29], [sflag:$0x6], $0x80, $0x38;
	[tilespmem:$0x10C00] =	vst v63  }
0xf6: {  	s28 =	sadd.s32 s1, s9;
	s29 =	simm.s32 $0xEA00  }
0xf7: {  	s30 =	simm.s32 $0x10;
	s0 =	simm.s32 $0xEA88;
	s16 =	sadd.s32 $0x0, s28  }
.LBB2_19:
0xf8: {  	[hbm4b:s16+s3] =	stream.linear.scatter [tilespmem:s29], [sflag:$0x6], $0x80, $0x38;
	[tilespmem:$0x10C00] =	vst v63  }
0xf9: {  	s16 =	smov.u32 s30;
	s29 =	smov.u32 s0;
	p0 =	sne.s32 s30, $0x1F0  }
.Ltmp8:
0xfa: {  	s30 =	sadd.s32 $0x10, s30;
	(pc) =	sbr.rel @p0 .LBB2_19-.Ltmp8, $2  }
0xfb: {  	_ =	sdelay $0x2  }
0xfc: {  	s0 =	sadd.s32 $0x88, s0;
	s16 =	sadd.s32 s16, s28  }
0xfd: {  	[hbm4b:s16+s3] =	stream.linear.scatter [tilespmem:s29], [sflag:$0x6], $0x80, $0x38;
	[tilespmem:$0x10C00] =	vst v63  }
0xfe: {  	s1 =	sadd.s32 s1, s11;
	s28 =	simm.s32 $0xFB00  }
0xff: {  	s29 =	simm.s32 $0x10;
	s0 =	simm.s32 $0xFB88;
	s16 =	sadd.s32 $0x0, s1  }
.LBB2_21:
0x100: {  	[hbm4b:s16+s3] =	stream.linear.scatter [tilespmem:s28], [sflag:$0x6], $0x80, $0x38;
	[tilespmem:$0x10C00] =	vst v63  }
0x101: {  	s16 =	smov.u32 s29;
	s28 =	smov.u32 s0;
	p0 =	sne.s32 s29, $0x1F0  }
.Ltmp9:
0x102: {  	s29 =	sadd.s32 $0x10, s29;
	(pc) =	sbr.rel @p0 .LBB2_21-.Ltmp9, $2  }
0x103: {  	_ =	sdelay $0x2  }
0x104: {  	s0 =	sadd.s32 $0x88, s0;
	s16 =	sadd.s32 s16, s1  }
0x105: {  	s26 =	sadd.s32 $0x1, s26  }
0x106: {  	p0 =	sne.s32 s26, $0x19  }
.Ltmp10:
0x107: {  	_ = 	snop;
	(pc) =	sbr.rel @p0 .LBB2_2-.Ltmp10, $2  }
0x108: {  	_ =	sdelay $0x2  }
0x109: {  	[hbm4b:s16+s3] =	stream.linear.scatter [tilespmem:s28], [sflag:$0x6], $0x80, $0x38;
	[tilespmem:$0x10C00] =	vst v63  }
0x10a: {  	_ =	swait.ge [sflag:s23], $0x1000  }
0x10b: {  	[sflag:s23] =	ssyncset.done $0x0  }
0x10c: {  	[sflag:s23] =	ssyncadd.s32 $0xFFFFF000  }
0x10d: {  	_ =	swait.ge [sflag:s23], $0x1000  }
0x10e: {  	[sflag:s23] =	ssyncset.done $0x0  }
0x10f: {  	[sflag:s23] =	ssyncadd.s32 $0xFFFFF000  }
0x110: {  	_ =	swait.ge [sflag:s23], $0x1000  }
0x111: {  	[sflag:s23] =	ssyncset.done $0x0  }
0x112: {  	[sflag:s23] =	ssyncadd.s32 $0xFFFFF000  }
0x113: {  	_ =	swait.ge [sflag:s23], $0x1000  }
0x114: {  	[sflag:s23] =	ssyncset.done $0x0  }
0x115: {  	[sflag:s23] =	ssyncadd.s32 $0xFFFFF000  }
0x116: {  	_ =	swait.ge [sflag:s24], $0x1000  }
0x117: {  	[sflag:s24] =	ssyncset.done $0x0  }
0x118: {  	[sflag:s24] =	ssyncadd.s32 $0xFFFFF000  }
0x119: {  	_ =	swait.ge [sflag:s24], $0x1000  }
0x11a: {  	[sflag:s24] =	ssyncset.done $0x0  }
0x11b: {  	s25 =	sadd.s32 $0x1, s25;
	[sflag:s24] =	ssyncadd.s32 $0xFFFFF000  }
0x11c: {  	p0 =	sne.s32 s25, s12;
	_ =	swait.ge [sflag:s24], $0x1000  }
.Ltmp11:
0x11d: {  	[sflag:s24] =	ssyncset.done $0x0;
	(pc) =	sbr.rel @p0 .LBB2_1-.Ltmp11, $4  }
0x11e: {  	[sflag:s24] =	ssyncadd.s32 $0xFFFFF000  }
0x11f: {  	_ =	swait.ge [sflag:s24], $0x1000  }
0x120: {  	[sflag:s24] =	ssyncset.done $0x0  }
0x121: {  	[sflag:s24] =	ssyncadd.s32 $0xFFFFF000  }
0x122: {  	_ =	sfence.sel $0x180000  }
0x123: {  	[bflag:$0x0] =	sbarrier.arrive $0xFFFF  }
0x124: {  	_ =	strace $0x90000047  }
0x125: {  	s0 =	stileid.u32;
	[bflag:$0x2] =	sbarrier.arrive $0xFFFF  }
0x126: {  	p0 =	sne.s32 s0, $0x0;
	s0 =	rddreg [dreg:$0x2]  }
0x127: {  	s0 =	sadd.s32 @!p0 $0x100000, s0  }
0x128: {  	[sflag:s0] =	ssyncadd.tile.s32 @!p0 $0x1;
	_ =	shalt  }
.Lfunc_end2:
_tile_overlayer_lowered:
.L_overlay_start_2:
0x129: {  	(tag) =	ssettag $0x2  }
0x12a: {  	s0 =	rddreg [dreg:$0x0];
	s2 =	stileid.u32  }
0x12b: {  	s1 =	rddreg [dreg:$0x1];
	p0 =	sne.s32 s2, $0x0  }
0x12c: {  	s3 =	rddreg [dreg:$0x2];
	[bflag:$0x3] =	sbarrier.arrive $0xFFFF;
	s2 =	simm.s32 @!p0 $0x1C07  }
0x12d: {  	[timem:s3], [sflag:s2] =	dma.local @!p0 [hbm:s0], s1  }
0x12e: {  	s0 =	simm.s32 @!p0 $0x7  }
0x12f: {  	_ =	swait.ge @!p0 [sflag:s0], s1  }
0x130: {  	s1 =	ssub.s32 @!p0 $0x0, s1;
	[sflag:s0] =	ssyncset.done @!p0 $0x0  }
0x131: {  	[sflag:s0] =	ssyncadd.s32 @!p0 s1  }
0x132: {  	[bflag:$0x3] =	sbarrier.arrive $0xFFFF  }
0x133: {  	_ =	shalt  }

</sc_bundles>
